<compile_context>
chip_gen: v7x
topology: tpu7x:2x2x1
jax: 0.10.2.dev20260603
libtpu: 0.0.44.dev20260713+nightly
codegen_flags: <defaults>
</compile_context>

<pallas_src>
import functools

import jax
import jax.numpy as jnp
from jax import lax
from jax.experimental import pallas as pl
from jax.experimental.pallas import tpu as pltpu
from jax.experimental.pallas import tpu_sc as plsc

B = 32
N = 512
E = 8192
H = 128
OUT = 64

_NW = 16
_ROWS_PER_W = N // _NW


@functools.cache
def _get_sc_build_adj():
    return functools.partial(
        pl.kernel,
        mesh=plsc.VectorSubcoreMesh(core_axis_name="c", subcore_axis_name="s",
                                    num_cores=1),
        out_type=jax.ShapeDtypeStruct((N * N,), jnp.float32),
        scratch_types=[
            pltpu.VMEM((_ROWS_PER_W * N,), jnp.float32),
            pltpu.VMEM((2, E), jnp.int32),
            pltpu.SemaphoreType.DMA,
        ],
        compiler_params=pltpu.CompilerParams(needs_layout_passes=False),
    )(_sc_build_adj_body)


def _sc_build_adj_body(ei_hbm, out_hbm, a_loc, ei_v, sem):
    wid = lax.axis_index("s")
    lo = wid * _ROWS_PER_W

    cp = pltpu.async_copy(ei_hbm, ei_v, sem)

    zeros = jnp.zeros((16,), jnp.float32)

    def zero_body(i, carry):
        a_loc[pl.ds(i * 16, 16)] = zeros
        return carry

    lax.fori_loop(0, (_ROWS_PER_W * N) // 16, zero_body, 0, unroll=8)
    cp.wait()

    ones = jnp.full((16,), 1.0, jnp.float32)

    def edge_body(k, carry):
        s = ei_v[0, pl.ds(k * 16, 16)]
        d = ei_v[1, pl.ds(k * 16, 16)]
        m = (d >= lo) & (d < lo + _ROWS_PER_W)
        li = (d - lo) * N + s
        li = jnp.where(m, li, 0)
        plsc.store_scatter(a_loc, [li], ones, mask=m)
        return carry

    lax.fori_loop(0, E // 16, edge_body, 0, unroll=8)

    def diag_body(j, carry):
        diag = (lax.iota(jnp.int32, 16) + j * 16) * (N + 1) + lo
        plsc.store_scatter(a_loc, [diag], ones)
        return carry

    lax.fori_loop(0, _ROWS_PER_W // 16, diag_body, 0, unroll=2)

    pltpu.sync_copy(a_loc, out_hbm.at[pl.ds(lo * N, _ROWS_PER_W * N)])


_GJ = 1
_BPJ = B // _GJ


def _tc_gnn_body(a_ref, state_ref, w1_ref, b1_ref, w2_ref, b2_ref, out_ref,
                 x_ref, t_ref):
    j = pl.program_id(0)

    @pl.when(j == 0)
    def _():
        a = a_ref[...]
        deg = jnp.sum(a, axis=1, keepdims=True)
        an = a / jnp.maximum(deg, 1.0)
        c = jnp.dot(an, a, preferred_element_type=jnp.float32)
        statet = state_ref[...].T
        w1 = w1_ref[...]
        b1 = b1_ref[...]

        for b in range(B):
            x_ref[:, b * H:(b + 1) * H] = statet[:, b:b + 1] * w1

        g = jnp.dot(c, x_ref[...], preferred_element_type=jnp.float32)
        h1 = jnp.maximum(g + jnp.tile(b1, (1, B)), 0.0)
        t_ref[...] = jnp.dot(an, h1, preferred_element_type=jnp.float32)

    w2 = w2_ref[...]
    b2 = b2_ref[...]
    for i in range(_BPJ):
        tb = t_ref[:, pl.ds((j * _BPJ + i) * H, H)]
        h2 = jnp.maximum(jnp.dot(tb, w2, preferred_element_type=jnp.float32) + b2, 0.0)
        out_ref[i * N:(i + 1) * N, :] = h2.astype(jnp.bfloat16)


def _tc_gnn(a, state, w1, b1, w2, b2):
    return pl.pallas_call(
        _tc_gnn_body,
        grid=(_GJ,),
        in_specs=[
            pl.BlockSpec((N, N), lambda j: (0, 0)),
            pl.BlockSpec((B, N), lambda j: (0, 0)),
            pl.BlockSpec((N, H), lambda j: (0, 0)),
            pl.BlockSpec((1, H), lambda j: (0, 0)),
            pl.BlockSpec((H, H), lambda j: (0, 0)),
            pl.BlockSpec((1, H), lambda j: (0, 0)),
        ],
        out_specs=pl.BlockSpec((_BPJ * N, H), lambda j: (j, 0)),
        out_shape=jax.ShapeDtypeStruct((B * N, H), jnp.bfloat16),
        scratch_shapes=[pltpu.VMEM((N, B * H), jnp.float32),
                        pltpu.VMEM((N, B * H), jnp.float32)],
    )(a, state, w1, b1, w2, b2)


_KC = 16384
_NK = (N * H) // _KC


def _tc_head_body(x_ref, w_ref, bout_ref, out_ref):
    k = pl.program_id(0)

    @pl.when(k == 0)
    def _():
        out_ref[...] = jnp.zeros_like(out_ref)

    out_ref[...] += lax.dot_general(
        x_ref[...].astype(jnp.float32), w_ref[...],
        (((1,), (1,)), ((), ())), preferred_element_type=jnp.float32)

    @pl.when(k == _NK - 1)
    def _():
        out_ref[...] = jnp.tanh(out_ref[...] + bout_ref[...])


def _tc_head(x, wout, bout):
    return pl.pallas_call(
        _tc_head_body,
        grid=(_NK,),
        in_specs=[
            pl.BlockSpec((B, _KC), lambda k: (0, k)),
            pl.BlockSpec((OUT, _KC), lambda k: (0, k)),
            pl.BlockSpec((1, OUT), lambda k: (0, 0)),
        ],
        out_specs=pl.BlockSpec((B, OUT), lambda k: (0, 0)),
        out_shape=jax.ShapeDtypeStruct((B, OUT), jnp.float32),
    )(x, wout, bout)


def kernel(state, edge_index, W1, b1, W2, b2, Wout, bout):
    ei = edge_index.astype(jnp.int32)
    a_flat = _get_sc_build_adj()(ei)
    a = a_flat.reshape(N, N)
    h2 = _tc_gnn(a, state, W1, b1.reshape(1, H), W2, b2.reshape(1, H))
    h2f = h2.reshape(B, N * H)
    return _tc_head(h2f, Wout, bout.reshape(1, OUT))

# --- scband reference (transcript-rebuilt; emitter-appended) ---
"""Pipeline reference for scband-model-2680059593261 (READ-ONLY COPY).

The authoritative reference and input builder live on the scoring server;
editing this copy changes nothing except your own understanding.
"""

import jax, jax.numpy as jnp
import numpy as np

B = 32
N = 512          # state_size = input_shape[0] = number of graph nodes
E = 8192         # avg degree 16
H = 128          # hidden_count
OUT = 64         # outputs_count


def setup_inputs(seed: int = 0) -> dict:
    key = jax.random.key(seed)
    ks = jax.random.split(key, 8)
    state = jax.random.normal(ks[0], (B, N), dtype=jnp.float32)
    edge_index = jax.random.randint(ks[1], (2, E), 0, N, dtype=jnp.int64)
    # GConvSeq([N, H, H]) parameters: two graph-conv linear maps
    W1 = jax.random.normal(ks[2], (N, H), dtype=jnp.float32) * (1.0 / np.sqrt(N))
    b1 = jnp.zeros((H,), dtype=jnp.float32)
    W2 = jax.random.normal(ks[3], (H, H), dtype=jnp.float32) * (1.0 / np.sqrt(H))
    b2 = jnp.zeros((H,), dtype=jnp.float32)
    # NoisyLinearFull(H * N, OUT), weight init uniform(-0.3, 0.3) per original code
    Wout = jax.random.uniform(ks[4], (OUT, H * N), dtype=jnp.float32, minval=-0.3, maxval=0.3)
    bout = jnp.zeros((OUT,), dtype=jnp.float32)
    return {"state": state, "edge_index": edge_index, "W1": W1, "b1": b1,
            "W2": W2, "b2": b2, "Wout": Wout, "bout": bout}


def reference(state, edge_index, W1, b1, W2, b2, Wout, bout):
    n = state.shape[1]
    src = edge_index[0]
    dst = edge_index[1]
    # DynamicGraphState.eval_torch: build adjacency mask from the learned graph
    # (here supplied as edge_index) and mask each node's view of the state.
    A = jnp.zeros((n, n), dtype=jnp.float32).at[dst, src].set(1.0)
    A = jnp.maximum(A, jnp.eye(n, dtype=jnp.float32))  # self loops
    mask = (A > 0).astype(jnp.float32)
    state_masked = state[:, None, :] * mask[None, :, :]          # [B, N, N]
    # row-normalized aggregation operator
    deg = jnp.sum(A, axis=1, keepdims=True)
    A_norm = A / jnp.maximum(deg, 1.0)
    # GConv layer 1: N -> H
    h = jnp.einsum('ij,bjf->bif', A_norm, state_masked)          # neighbor aggregate
    h = jax.nn.relu(h @ W1 + b1)                                 # [B, N, H]
    # GConv layer 2: H -> H
    h = jnp.einsum('ij,bjf->bif', A_norm, h)
    h = jax.nn.relu(h @ W2 + b2)                                 # [B, N, H]
    # flatten + NoisyLinearFull (eval-mode: mean weights) + tanh
    y = h.reshape(h.shape[0], h.shape[1] * h.shape[2])           # [B, N*H]
    y = jnp.tanh(y @ Wout.T + bout)                              # [B, OUT]
    return y

if __name__ == "__main__":
    import jax
    _d = setup_inputs()
    print(jax.jit(kernel)(*tuple(_d.values())))

</pallas_src>

<mosaic_0001>
#map = affine_map<(d0, d1) -> (0, 0)>
#map1 = affine_map<(d0, d1) -> (0)>
module attributes {stable_mosaic.version = 14 : i64} {
  func.func @_sc_build_adj_body(%arg0: i32, %arg1: i32, %arg2: memref<2x8192xi32, #tpu.memory_space<hbm>>, %arg3: memref<262144xf32, #tpu.memory_space<hbm>>, %arg4: memref<16384xf32, #tpu.memory_space<vmem>>, %arg5: memref<2x8192xi32, #tpu.memory_space<vmem>>, %arg6: memref<!tpu.dma_semaphore, #tpu.memory_space<semaphore_mem>>) attributes {dimension_semantics = [#tpu.dimension_semantics<core_parallel>, #tpu.dimension_semantics<subcore_parallel>], iteration_bounds = array<i64: 1, 16>, scalar_prefetch = 0 : i64, scratch_operands = 3 : i64, tpu.core_type = #tpu.core_type<sc_vector_subcore>, window_params = [{transform_indices = #map}, {transform_indices = #map1}]} {
    %mul3A = arith.constant 32 : i32
    %mul3A_0 = arith.muli %arg1, %mul3A : i32
    tpu.enqueue_dma source(%arg2 : memref<2x8192xi32, #tpu.memory_space<hbm>>) target(%arg5 : memref<2x8192xi32, #tpu.memory_space<vmem>>) target_semaphore(%arg6 : memref<!tpu.dma_semaphore, #tpu.memory_space<semaphore_mem>>)
    %broadcast_in_dim3A = arith.constant 0.000000e+00 : f32
    %broadcast_in_dim3A_1 = vector.broadcast %broadcast_in_dim3A : f32 to vector<16xf32>
    %scan3A = arith.constant 0 : i32
    %scan3A_2 = arith.constant 0 : i32
    %scan3A_3 = arith.constant 1024 : i32
    %scan3A_4 = arith.addi %scan3A_2, %scan3A_3 : i32
    %scan3A_5 = arith.constant 8 : i32
    scf.for %scan3A_39 = %scan3A_2 to %scan3A_4 step %scan3A_5  : i32 {
      %mul3A_40 = arith.constant 16 : i32
      %mul3A_41 = arith.muli %scan3A_39, %mul3A_40 : i32
      %swap3A = arith.index_cast %mul3A_41 : i32 to index
      %swap3A_42 = tpu.vector_load %arg4[%swap3A] {strides = array<i32>} : memref<16384xf32, #tpu.memory_space<vmem>>, vector<16xf32>,
      tpu.vector_store %arg4[%swap3A], %broadcast_in_dim3A_1 {strides = array<i32>} : memref<16384xf32, #tpu.memory_space<vmem>>, vector<16xf32>,
      %scan3A_43 = arith.constant 1 : i32
      %scan3A_44 = arith.addi %scan3A_39, %scan3A_43 : i32
      %mul3A_45 = arith.constant 16 : i32
      %mul3A_46 = arith.muli %scan3A_44, %mul3A_45 : i32
      %swap3A_47 = arith.index_cast %mul3A_46 : i32 to index
      %swap3A_48 = tpu.vector_load %arg4[%swap3A_47] {strides = array<i32>} : memref<16384xf32, #tpu.memory_space<vmem>>, vector<16xf32>,
      tpu.vector_store %arg4[%swap3A_47], %broadcast_in_dim3A_1 {strides = array<i32>} : memref<16384xf32, #tpu.memory_space<vmem>>, vector<16xf32>,
      %scan3A_49 = arith.constant 2 : i32
      %scan3A_50 = arith.addi %scan3A_39, %scan3A_49 : i32
      %mul3A_51 = arith.constant 16 : i32
      %mul3A_52 = arith.muli %scan3A_50, %mul3A_51 : i32
      %swap3A_53 = arith.index_cast %mul3A_52 : i32 to index
      %swap3A_54 = tpu.vector_load %arg4[%swap3A_53] {strides = array<i32>} : memref<16384xf32, #tpu.memory_space<vmem>>, vector<16xf32>,
      tpu.vector_store %arg4[%swap3A_53], %broadcast_in_dim3A_1 {strides = array<i32>} : memref<16384xf32, #tpu.memory_space<vmem>>, vector<16xf32>,
      %scan3A_55 = arith.constant 3 : i32
      %scan3A_56 = arith.addi %scan3A_39, %scan3A_55 : i32
      %mul3A_57 = arith.constant 16 : i32
      %mul3A_58 = arith.muli %scan3A_56, %mul3A_57 : i32
      %swap3A_59 = arith.index_cast %mul3A_58 : i32 to index
      %swap3A_60 = tpu.vector_load %arg4[%swap3A_59] {strides = array<i32>} : memref<16384xf32, #tpu.memory_space<vmem>>, vector<16xf32>,
      tpu.vector_store %arg4[%swap3A_59], %broadcast_in_dim3A_1 {strides = array<i32>} : memref<16384xf32, #tpu.memory_space<vmem>>, vector<16xf32>,
      %scan3A_61 = arith.constant 4 : i32
      %scan3A_62 = arith.addi %scan3A_39, %scan3A_61 : i32
      %mul3A_63 = arith.constant 16 : i32
      %mul3A_64 = arith.muli %scan3A_62, %mul3A_63 : i32
      %swap3A_65 = arith.index_cast %mul3A_64 : i32 to index
      %swap3A_66 = tpu.vector_load %arg4[%swap3A_65] {strides = array<i32>} : memref<16384xf32, #tpu.memory_space<vmem>>, vector<16xf32>,
      tpu.vector_store %arg4[%swap3A_65], %broadcast_in_dim3A_1 {strides = array<i32>} : memref<16384xf32, #tpu.memory_space<vmem>>, vector<16xf32>,
      %scan3A_67 = arith.constant 5 : i32
      %scan3A_68 = arith.addi %scan3A_39, %scan3A_67 : i32
      %mul3A_69 = arith.constant 16 : i32
      %mul3A_70 = arith.muli %scan3A_68, %mul3A_69 : i32
      %swap3A_71 = arith.index_cast %mul3A_70 : i32 to index
      %swap3A_72 = tpu.vector_load %arg4[%swap3A_71] {strides = array<i32>} : memref<16384xf32, #tpu.memory_space<vmem>>, vector<16xf32>,
      tpu.vector_store %arg4[%swap3A_71], %broadcast_in_dim3A_1 {strides = array<i32>} : memref<16384xf32, #tpu.memory_space<vmem>>, vector<16xf32>,
      %scan3A_73 = arith.constant 6 : i32
      %scan3A_74 = arith.addi %scan3A_39, %scan3A_73 : i32
      %mul3A_75 = arith.constant 16 : i32
      %mul3A_76 = arith.muli %scan3A_74, %mul3A_75 : i32
      %swap3A_77 = arith.index_cast %mul3A_76 : i32 to index
      %swap3A_78 = tpu.vector_load %arg4[%swap3A_77] {strides = array<i32>} : memref<16384xf32, #tpu.memory_space<vmem>>, vector<16xf32>,
      tpu.vector_store %arg4[%swap3A_77], %broadcast_in_dim3A_1 {strides = array<i32>} : memref<16384xf32, #tpu.memory_space<vmem>>, vector<16xf32>,
      %scan3A_79 = arith.constant 7 : i32
      %scan3A_80 = arith.addi %scan3A_39, %scan3A_79 : i32
      %mul3A_81 = arith.constant 16 : i32
      %mul3A_82 = arith.muli %scan3A_80, %mul3A_81 : i32
      %swap3A_83 = arith.index_cast %mul3A_82 : i32 to index
      %swap3A_84 = tpu.vector_load %arg4[%swap3A_83] {strides = array<i32>} : memref<16384xf32, #tpu.memory_space<vmem>>, vector<16xf32>,
      tpu.vector_store %arg4[%swap3A_83], %broadcast_in_dim3A_1 {strides = array<i32>} : memref<16384xf32, #tpu.memory_space<vmem>>, vector<16xf32>,
    }
    %scan3A_6 = arith.constant 1024 : i32
    tpu.wait_dma2 semaphore(%arg6 : memref<!tpu.dma_semaphore, #tpu.memory_space<semaphore_mem>>) src(%arg2 : memref<2x8192xi32, #tpu.memory_space<hbm>>) dst(%arg5 : memref<2x8192xi32, #tpu.memory_space<vmem>>)
    %broadcast_in_dim3A_7 = arith.constant 1.000000e+00 : f32
    %broadcast_in_dim3A_8 = vector.broadcast %broadcast_in_dim3A_7 : f32 to vector<16xf32>
    %scan3A_9 = arith.constant 0 : i32
    %scan3A_10 = arith.constant 0 : i32
    %scan3A_11 = arith.constant 512 : i32
    %scan3A_12 = arith.addi %scan3A_10, %scan3A_11 : i32
    %scan3A_13 = arith.constant 8 : i32
    scf.for %scan3A_39 = %scan3A_10 to %scan3A_12 step %scan3A_13  : i32 {
      %mul3A_40 = arith.constant 16 : i32
      %mul3A_41 = arith.muli %scan3A_39, %mul3A_40 : i32
      %get3A = arith.constant 0 : i32
      %get3A_42 = arith.index_cast %get3A : i32 to index
      %get3A_43 = arith.index_cast %mul3A_41 : i32 to index
      %get3A_44 = tpu.vector_load %arg5[%get3A_42, %get3A_43] {strides = array<i32>} : memref<2x8192xi32, #tpu.memory_space<vmem>>, vector<16xi32>,
      %mul3A_45 = arith.constant 16 : i32
      %mul3A_46 = arith.muli %scan3A_39, %mul3A_45 : i32
      %get3A_47 = arith.constant 1 : i32
      %get3A_48 = arith.index_cast %get3A_47 : i32 to index
      %get3A_49 = arith.index_cast %mul3A_46 : i32 to index
      %get3A_50 = tpu.vector_load %arg5[%get3A_48, %get3A_49] {strides = array<i32>} : memref<2x8192xi32, #tpu.memory_space<vmem>>, vector<16xi32>,
      %ge3A = vector.broadcast %mul3A_0 : i32 to vector<16xi32>
      %ge3A_51 = arith.cmpi sge, %get3A_50, %ge3A : vector<16xi32>
      %add3A_52 = arith.constant 32 : i32
      %add3A_53 = arith.addi %mul3A_0, %add3A_52 : i32
      %lt3A = vector.broadcast %add3A_53 : i32 to vector<16xi32>
      %lt3A_54 = arith.cmpi slt, %get3A_50, %lt3A : vector<16xi32>
      %and3A = arith.andi %ge3A_51, %lt3A_54 : vector<16xi1>
      %sub3A = vector.broadcast %mul3A_0 : i32 to vector<16xi32>
      %sub3A_55 = arith.subi %get3A_50, %sub3A : vector<16xi32>
      %mul3A_56 = arith.constant 512 : i32
      %mul3A_57 = vector.broadcast %mul3A_56 : i32 to vector<16xi32>
      %mul3A_58 = arith.muli %sub3A_55, %mul3A_57 : vector<16xi32>
      %add3A_59 = arith.addi %mul3A_58, %get3A_44 : vector<16xi32>
      %jit3A = arith.constant 0 : i32
      %broadcast_in_dim3A_60 = vector.broadcast %jit3A : i32 to vector<16xi32>
      %select_n3A = arith.select %and3A, %add3A_59, %broadcast_in_dim3A_60 : vector<16xi1>, vector<16xi32>
      tpu.vector_store_idx %arg4[%select_n3A], %broadcast_in_dim3A_8 masked %and3A : memref<16384xf32, #tpu.memory_space<vmem>>[vector<16xi32>], vector<16xf32>, vector<16xi1>
      %scan3A_61 = arith.constant 1 : i32
      %scan3A_62 = arith.addi %scan3A_39, %scan3A_61 : i32
      %mul3A_63 = arith.constant 16 : i32
      %mul3A_64 = arith.muli %scan3A_62, %mul3A_63 : i32
      %get3A_65 = arith.constant 0 : i32
      %get3A_66 = arith.index_cast %get3A_65 : i32 to index
      %get3A_67 = arith.index_cast %mul3A_64 : i32 to index
      %get3A_68 = tpu.vector_load %arg5[%get3A_66, %get3A_67] {strides = array<i32>} : memref<2x8192xi32, #tpu.memory_space<vmem>>, vector<16xi32>,
      %mul3A_69 = arith.constant 16 : i32
      %mul3A_70 = arith.muli %scan3A_62, %mul3A_69 : i32
      %get3A_71 = arith.constant 1 : i32
      %get3A_72 = arith.index_cast %get3A_71 : i32 to index
      %get3A_73 = arith.index_cast %mul3A_70 : i32 to index
      %get3A_74 = tpu.vector_load %arg5[%get3A_72, %get3A_73] {strides = array<i32>} : memref<2x8192xi32, #tpu.memory_space<vmem>>, vector<16xi32>,
      %ge3A_75 = vector.broadcast %mul3A_0 : i32 to vector<16xi32>
      %ge3A_76 = arith.cmpi sge, %get3A_74, %ge3A_75 : vector<16xi32>
      %add3A_77 = arith.constant 32 : i32
      %add3A_78 = arith.addi %mul3A_0, %add3A_77 : i32
      %lt3A_79 = vector.broadcast %add3A_78 : i32 to vector<16xi32>
      %lt3A_80 = arith.cmpi slt, %get3A_74, %lt3A_79 : vector<16xi32>
      %and3A_81 = arith.andi %ge3A_76, %lt3A_80 : vector<16xi1>
      %sub3A_82 = vector.broadcast %mul3A_0 : i32 to vector<16xi32>
      %sub3A_83 = arith.subi %get3A_74, %sub3A_82 : vector<16xi32>
      %mul3A_84 = arith.constant 512 : i32
      %mul3A_85 = vector.broadcast %mul3A_84 : i32 to vector<16xi32>
      %mul3A_86 = arith.muli %sub3A_83, %mul3A_85 : vector<16xi32>
      %add3A_87 = arith.addi %mul3A_86, %get3A_68 : vector<16xi32>
      %jit3A_88 = arith.constant 0 : i32
      %broadcast_in_dim3A_89 = vector.broadcast %jit3A_88 : i32 to vector<16xi32>
      %select_n3A_90 = arith.select %and3A_81, %add3A_87, %broadcast_in_dim3A_89 : vector<16xi1>, vector<16xi32>
      tpu.vector_store_idx %arg4[%select_n3A_90], %broadcast_in_dim3A_8 masked %and3A_81 : memref<16384xf32, #tpu.memory_space<vmem>>[vector<16xi32>], vector<16xf32>, vector<16xi1>
      %scan3A_91 = arith.constant 2 : i32
      %scan3A_92 = arith.addi %scan3A_39, %scan3A_91 : i32
      %mul3A_93 = arith.constant 16 : i32
      %mul3A_94 = arith.muli %scan3A_92, %mul3A_93 : i32
      %get3A_95 = arith.constant 0 : i32
      %get3A_96 = arith.index_cast %get3A_95 : i32 to index
      %get3A_97 = arith.index_cast %mul3A_94 : i32 to index
      %get3A_98 = tpu.vector_load %arg5[%get3A_96, %get3A_97] {strides = array<i32>} : memref<2x8192xi32, #tpu.memory_space<vmem>>, vector<16xi32>,
      %mul3A_99 = arith.constant 16 : i32
      %mul3A_100 = arith.muli %scan3A_92, %mul3A_99 : i32
      %get3A_101 = arith.constant 1 : i32
      %get3A_102 = arith.index_cast %get3A_101 : i32 to index
      %get3A_103 = arith.index_cast %mul3A_100 : i32 to index
      %get3A_104 = tpu.vector_load %arg5[%get3A_102, %get3A_103] {strides = array<i32>} : memref<2x8192xi32, #tpu.memory_space<vmem>>, vector<16xi32>,
      %ge3A_105 = vector.broadcast %mul3A_0 : i32 to vector<16xi32>
      %ge3A_106 = arith.cmpi sge, %get3A_104, %ge3A_105 : vector<16xi32>
      %add3A_107 = arith.constant 32 : i32
      %add3A_108 = arith.addi %mul3A_0, %add3A_107 : i32
      %lt3A_109 = vector.broadcast %add3A_108 : i32 to vector<16xi32>
      %lt3A_110 = arith.cmpi slt, %get3A_104, %lt3A_109 : vector<16xi32>
      %and3A_111 = arith.andi %ge3A_106, %lt3A_110 : vector<16xi1>
      %sub3A_112 = vector.broadcast %mul3A_0 : i32 to vector<16xi32>
      %sub3A_113 = arith.subi %get3A_104, %sub3A_112 : vector<16xi32>
      %mul3A_114 = arith.constant 512 : i32
      %mul3A_115 = vector.broadcast %mul3A_114 : i32 to vector<16xi32>
      %mul3A_116 = arith.muli %sub3A_113, %mul3A_115 : vector<16xi32>
      %add3A_117 = arith.addi %mul3A_116, %get3A_98 : vector<16xi32>
      %jit3A_118 = arith.constant 0 : i32
      %broadcast_in_dim3A_119 = vector.broadcast %jit3A_118 : i32 to vector<16xi32>
      %select_n3A_120 = arith.select %and3A_111, %add3A_117, %broadcast_in_dim3A_119 : vector<16xi1>, vector<16xi32>
      tpu.vector_store_idx %arg4[%select_n3A_120], %broadcast_in_dim3A_8 masked %and3A_111 : memref<16384xf32, #tpu.memory_space<vmem>>[vector<16xi32>], vector<16xf32>, vector<16xi1>
      %scan3A_121 = arith.constant 3 : i32
      %scan3A_122 = arith.addi %scan3A_39, %scan3A_121 : i32
      %mul3A_123 = arith.constant 16 : i32
      %mul3A_124 = arith.muli %scan3A_122, %mul3A_123 : i32
      %get3A_125 = arith.constant 0 : i32
      %get3A_126 = arith.index_cast %get3A_125 : i32 to index
      %get3A_127 = arith.index_cast %mul3A_124 : i32 to index
      %get3A_128 = tpu.vector_load %arg5[%get3A_126, %get3A_127] {strides = array<i32>} : memref<2x8192xi32, #tpu.memory_space<vmem>>, vector<16xi32>,
      %mul3A_129 = arith.constant 16 : i32
      %mul3A_130 = arith.muli %scan3A_122, %mul3A_129 : i32
      %get3A_131 = arith.constant 1 : i32
      %get3A_132 = arith.index_cast %get3A_131 : i32 to index
      %get3A_133 = arith.index_cast %mul3A_130 : i32 to index
      %get3A_134 = tpu.vector_load %arg5[%get3A_132, %get3A_133] {strides = array<i32>} : memref<2x8192xi32, #tpu.memory_space<vmem>>, vector<16xi32>,
      %ge3A_135 = vector.broadcast %mul3A_0 : i32 to vector<16xi32>
      %ge3A_136 = arith.cmpi sge, %get3A_134, %ge3A_135 : vector<16xi32>
      %add3A_137 = arith.constant 32 : i32
      %add3A_138 = arith.addi %mul3A_0, %add3A_137 : i32
      %lt3A_139 = vector.broadcast %add3A_138 : i32 to vector<16xi32>
      %lt3A_140 = arith.cmpi slt, %get3A_134, %lt3A_139 : vector<16xi32>
      %and3A_141 = arith.andi %ge3A_136, %lt3A_140 : vector<16xi1>
      %sub3A_142 = vector.broadcast %mul3A_0 : i32 to vector<16xi32>
      %sub3A_143 = arith.subi %get3A_134, %sub3A_142 : vector<16xi32>
      %mul3A_144 = arith.constant 512 : i32
      %mul3A_145 = vector.broadcast %mul3A_144 : i32 to vector<16xi32>
      %mul3A_146 = arith.muli %sub3A_143, %mul3A_145 : vector<16xi32>
      %add3A_147 = arith.addi %mul3A_146, %get3A_128 : vector<16xi32>
      %jit3A_148 = arith.constant 0 : i32
      %broadcast_in_dim3A_149 = vector.broadcast %jit3A_148 : i32 to vector<16xi32>
      %select_n3A_150 = arith.select %and3A_141, %add3A_147, %broadcast_in_dim3A_149 : vector<16xi1>, vector<16xi32>
      tpu.vector_store_idx %arg4[%select_n3A_150], %broadcast_in_dim3A_8 masked %and3A_141 : memref<16384xf32, #tpu.memory_space<vmem>>[vector<16xi32>], vector<16xf32>, vector<16xi1>
      %scan3A_151 = arith.constant 4 : i32
      %scan3A_152 = arith.addi %scan3A_39, %scan3A_151 : i32
      %mul3A_153 = arith.constant 16 : i32
      %mul3A_154 = arith.muli %scan3A_152, %mul3A_153 : i32
      %get3A_155 = arith.constant 0 : i32
      %get3A_156 = arith.index_cast %get3A_155 : i32 to index
      %get3A_157 = arith.index_cast %mul3A_154 : i32 to index
      %get3A_158 = tpu.vector_load %arg5[%get3A_156, %get3A_157] {strides = array<i32>} : memref<2x8192xi32, #tpu.memory_space<vmem>>, vector<16xi32>,
      %mul3A_159 = arith.constant 16 : i32
      %mul3A_160 = arith.muli %scan3A_152, %mul3A_159 : i32
      %get3A_161 = arith.constant 1 : i32
      %get3A_162 = arith.index_cast %get3A_161 : i32 to index
      %get3A_163 = arith.index_cast %mul3A_160 : i32 to index
      %get3A_164 = tpu.vector_load %arg5[%get3A_162, %get3A_163] {strides = array<i32>} : memref<2x8192xi32, #tpu.memory_space<vmem>>, vector<16xi32>,
      %ge3A_165 = vector.broadcast %mul3A_0 : i32 to vector<16xi32>
      %ge3A_166 = arith.cmpi sge, %get3A_164, %ge3A_165 : vector<16xi32>
      %add3A_167 = arith.constant 32 : i32
      %add3A_168 = arith.addi %mul3A_0, %add3A_167 : i32
      %lt3A_169 = vector.broadcast %add3A_168 : i32 to vector<16xi32>
      %lt3A_170 = arith.cmpi slt, %get3A_164, %lt3A_169 : vector<16xi32>
      %and3A_171 = arith.andi %ge3A_166, %lt3A_170 : vector<16xi1>
      %sub3A_172 = vector.broadcast %mul3A_0 : i32 to vector<16xi32>
      %sub3A_173 = arith.subi %get3A_164, %sub3A_172 : vector<16xi32>
      %mul3A_174 = arith.constant 512 : i32
      %mul3A_175 = vector.broadcast %mul3A_174 : i32 to vector<16xi32>
      %mul3A_176 = arith.muli %sub3A_173, %mul3A_175 : vector<16xi32>
      %add3A_177 = arith.addi %mul3A_176, %get3A_158 : vector<16xi32>
      %jit3A_178 = arith.constant 0 : i32
      %broadcast_in_dim3A_179 = vector.broadcast %jit3A_178 : i32 to vector<16xi32>
      %select_n3A_180 = arith.select %and3A_171, %add3A_177, %broadcast_in_dim3A_179 : vector<16xi1>, vector<16xi32>
      tpu.vector_store_idx %arg4[%select_n3A_180], %broadcast_in_dim3A_8 masked %and3A_171 : memref<16384xf32, #tpu.memory_space<vmem>>[vector<16xi32>], vector<16xf32>, vector<16xi1>
      %scan3A_181 = arith.constant 5 : i32
      %scan3A_182 = arith.addi %scan3A_39, %scan3A_181 : i32
      %mul3A_183 = arith.constant 16 : i32
      %mul3A_184 = arith.muli %scan3A_182, %mul3A_183 : i32
      %get3A_185 = arith.constant 0 : i32
      %get3A_186 = arith.index_cast %get3A_185 : i32 to index
      %get3A_187 = arith.index_cast %mul3A_184 : i32 to index
      %get3A_188 = tpu.vector_load %arg5[%get3A_186, %get3A_187] {strides = array<i32>} : memref<2x8192xi32, #tpu.memory_space<vmem>>, vector<16xi32>,
      %mul3A_189 = arith.constant 16 : i32
      %mul3A_190 = arith.muli %scan3A_182, %mul3A_189 : i32
      %get3A_191 = arith.constant 1 : i32
      %get3A_192 = arith.index_cast %get3A_191 : i32 to index
      %get3A_193 = arith.index_cast %mul3A_190 : i32 to index
      %get3A_194 = tpu.vector_load %arg5[%get3A_192, %get3A_193] {strides = array<i32>} : memref<2x8192xi32, #tpu.memory_space<vmem>>, vector<16xi32>,
      %ge3A_195 = vector.broadcast %mul3A_0 : i32 to vector<16xi32>
      %ge3A_196 = arith.cmpi sge, %get3A_194, %ge3A_195 : vector<16xi32>
      %add3A_197 = arith.constant 32 : i32
      %add3A_198 = arith.addi %mul3A_0, %add3A_197 : i32
      %lt3A_199 = vector.broadcast %add3A_198 : i32 to vector<16xi32>
      %lt3A_200 = arith.cmpi slt, %get3A_194, %lt3A_199 : vector<16xi32>
      %and3A_201 = arith.andi %ge3A_196, %lt3A_200 : vector<16xi1>
      %sub3A_202 = vector.broadcast %mul3A_0 : i32 to vector<16xi32>
      %sub3A_203 = arith.subi %get3A_194, %sub3A_202 : vector<16xi32>
      %mul3A_204 = arith.constant 512 : i32
      %mul3A_205 = vector.broadcast %mul3A_204 : i32 to vector<16xi32>
      %mul3A_206 = arith.muli %sub3A_203, %mul3A_205 : vector<16xi32>
      %add3A_207 = arith.addi %mul3A_206, %get3A_188 : vector<16xi32>
      %jit3A_208 = arith.constant 0 : i32
      %broadcast_in_dim3A_209 = vector.broadcast %jit3A_208 : i32 to vector<16xi32>
      %select_n3A_210 = arith.select %and3A_201, %add3A_207, %broadcast_in_dim3A_209 : vector<16xi1>, vector<16xi32>
      tpu.vector_store_idx %arg4[%select_n3A_210], %broadcast_in_dim3A_8 masked %and3A_201 : memref<16384xf32, #tpu.memory_space<vmem>>[vector<16xi32>], vector<16xf32>, vector<16xi1>
      %scan3A_211 = arith.constant 6 : i32
      %scan3A_212 = arith.addi %scan3A_39, %scan3A_211 : i32
      %mul3A_213 = arith.constant 16 : i32
      %mul3A_214 = arith.muli %scan3A_212, %mul3A_213 : i32
      %get3A_215 = arith.constant 0 : i32
      %get3A_216 = arith.index_cast %get3A_215 : i32 to index
      %get3A_217 = arith.index_cast %mul3A_214 : i32 to index
      %get3A_218 = tpu.vector_load %arg5[%get3A_216, %get3A_217] {strides = array<i32>} : memref<2x8192xi32, #tpu.memory_space<vmem>>, vector<16xi32>,
      %mul3A_219 = arith.constant 16 : i32
      %mul3A_220 = arith.muli %scan3A_212, %mul3A_219 : i32
      %get3A_221 = arith.constant 1 : i32
      %get3A_222 = arith.index_cast %get3A_221 : i32 to index
      %get3A_223 = arith.index_cast %mul3A_220 : i32 to index
      %get3A_224 = tpu.vector_load %arg5[%get3A_222, %get3A_223] {strides = array<i32>} : memref<2x8192xi32, #tpu.memory_space<vmem>>, vector<16xi32>,
      %ge3A_225 = vector.broadcast %mul3A_0 : i32 to vector<16xi32>
      %ge3A_226 = arith.cmpi sge, %get3A_224, %ge3A_225 : vector<16xi32>
      %add3A_227 = arith.constant 32 : i32
      %add3A_228 = arith.addi %mul3A_0, %add3A_227 : i32
      %lt3A_229 = vector.broadcast %add3A_228 : i32 to vector<16xi32>
      %lt3A_230 = arith.cmpi slt, %get3A_224, %lt3A_229 : vector<16xi32>
      %and3A_231 = arith.andi %ge3A_226, %lt3A_230 : vector<16xi1>
      %sub3A_232 = vector.broadcast %mul3A_0 : i32 to vector<16xi32>
      %sub3A_233 = arith.subi %get3A_224, %sub3A_232 : vector<16xi32>
      %mul3A_234 = arith.constant 512 : i32
      %mul3A_235 = vector.broadcast %mul3A_234 : i32 to vector<16xi32>
      %mul3A_236 = arith.muli %sub3A_233, %mul3A_235 : vector<16xi32>
      %add3A_237 = arith.addi %mul3A_236, %get3A_218 : vector<16xi32>
      %jit3A_238 = arith.constant 0 : i32
      %broadcast_in_dim3A_239 = vector.broadcast %jit3A_238 : i32 to vector<16xi32>
      %select_n3A_240 = arith.select %and3A_231, %add3A_237, %broadcast_in_dim3A_239 : vector<16xi1>, vector<16xi32>
      tpu.vector_store_idx %arg4[%select_n3A_240], %broadcast_in_dim3A_8 masked %and3A_231 : memref<16384xf32, #tpu.memory_space<vmem>>[vector<16xi32>], vector<16xf32>, vector<16xi1>
      %scan3A_241 = arith.constant 7 : i32
      %scan3A_242 = arith.addi %scan3A_39, %scan3A_241 : i32
      %mul3A_243 = arith.constant 16 : i32
      %mul3A_244 = arith.muli %scan3A_242, %mul3A_243 : i32
      %get3A_245 = arith.constant 0 : i32
      %get3A_246 = arith.index_cast %get3A_245 : i32 to index
      %get3A_247 = arith.index_cast %mul3A_244 : i32 to index
      %get3A_248 = tpu.vector_load %arg5[%get3A_246, %get3A_247] {strides = array<i32>} : memref<2x8192xi32, #tpu.memory_space<vmem>>, vector<16xi32>,
      %mul3A_249 = arith.constant 16 : i32
      %mul3A_250 = arith.muli %scan3A_242, %mul3A_249 : i32
      %get3A_251 = arith.constant 1 : i32
      %get3A_252 = arith.index_cast %get3A_251 : i32 to index
      %get3A_253 = arith.index_cast %mul3A_250 : i32 to index
      %get3A_254 = tpu.vector_load %arg5[%get3A_252, %get3A_253] {strides = array<i32>} : memref<2x8192xi32, #tpu.memory_space<vmem>>, vector<16xi32>,
      %ge3A_255 = vector.broadcast %mul3A_0 : i32 to vector<16xi32>
      %ge3A_256 = arith.cmpi sge, %get3A_254, %ge3A_255 : vector<16xi32>
      %add3A_257 = arith.constant 32 : i32
      %add3A_258 = arith.addi %mul3A_0, %add3A_257 : i32
      %lt3A_259 = vector.broadcast %add3A_258 : i32 to vector<16xi32>
      %lt3A_260 = arith.cmpi slt, %get3A_254, %lt3A_259 : vector<16xi32>
      %and3A_261 = arith.andi %ge3A_256, %lt3A_260 : vector<16xi1>
      %sub3A_262 = vector.broadcast %mul3A_0 : i32 to vector<16xi32>
      %sub3A_263 = arith.subi %get3A_254, %sub3A_262 : vector<16xi32>
      %mul3A_264 = arith.constant 512 : i32
      %mul3A_265 = vector.broadcast %mul3A_264 : i32 to vector<16xi32>
      %mul3A_266 = arith.muli %sub3A_263, %mul3A_265 : vector<16xi32>
      %add3A_267 = arith.addi %mul3A_266, %get3A_248 : vector<16xi32>
      %jit3A_268 = arith.constant 0 : i32
      %broadcast_in_dim3A_269 = vector.broadcast %jit3A_268 : i32 to vector<16xi32>
      %select_n3A_270 = arith.select %and3A_261, %add3A_267, %broadcast_in_dim3A_269 : vector<16xi1>, vector<16xi32>
      tpu.vector_store_idx %arg4[%select_n3A_270], %broadcast_in_dim3A_8 masked %and3A_261 : memref<16384xf32, #tpu.memory_space<vmem>>[vector<16xi32>], vector<16xf32>, vector<16xi1>
    }
    %scan3A_14 = arith.constant 512 : i32
    %scan3A_15 = arith.constant 0 : i32
    %scan3A_16 = arith.constant 0 : i32
    %iota3A = tpu.iota {dimensions = array<i32: 0>} : vector<16xi32>
    %mul3A_17 = arith.constant 16 : i32
    %mul3A_18 = arith.muli %scan3A_16, %mul3A_17 : i32
    %add3A = vector.broadcast %mul3A_18 : i32 to vector<16xi32>
    %add3A_19 = arith.addi %iota3A, %add3A : vector<16xi32>
    %mul3A_20 = arith.constant 513 : i32
    %mul3A_21 = vector.broadcast %mul3A_20 : i32 to vector<16xi32>
    %mul3A_22 = arith.muli %add3A_19, %mul3A_21 : vector<16xi32>
    %add3A_23 = vector.broadcast %mul3A_0 : i32 to vector<16xi32>
    %add3A_24 = arith.addi %mul3A_22, %add3A_23 : vector<16xi32>
    tpu.vector_store_idx %arg4[%add3A_24], %broadcast_in_dim3A_8 : memref<16384xf32, #tpu.memory_space<vmem>>[vector<16xi32>], vector<16xf32>,
    %scan3A_25 = arith.constant 1 : i32
    %iota3A_26 = tpu.iota {dimensions = array<i32: 0>} : vector<16xi32>
    %mul3A_27 = arith.constant 16 : i32
    %mul3A_28 = arith.muli %scan3A_25, %mul3A_27 : i32
    %add3A_29 = vector.broadcast %mul3A_28 : i32 to vector<16xi32>
    %add3A_30 = arith.addi %iota3A_26, %add3A_29 : vector<16xi32>
    %mul3A_31 = arith.constant 513 : i32
    %mul3A_32 = vector.broadcast %mul3A_31 : i32 to vector<16xi32>
    %mul3A_33 = arith.muli %add3A_30, %mul3A_32 : vector<16xi32>
    %add3A_34 = vector.broadcast %mul3A_0 : i32 to vector<16xi32>
    %add3A_35 = arith.addi %mul3A_33, %add3A_34 : vector<16xi32>
    tpu.vector_store_idx %arg4[%add3A_35], %broadcast_in_dim3A_8 : memref<16384xf32, #tpu.memory_space<vmem>>[vector<16xi32>], vector<16xf32>,
    %scan3A_36 = arith.constant 2 : i32
    %mul3A_37 = arith.constant 512 : i32
    %mul3A_38 = arith.muli %mul3A_0, %mul3A_37 : i32
    "tpu.region"() ({
      %run_scoped3A = tpu.sem_alloc : memref<!tpu.dma_semaphore, #tpu.memory_space<semaphore_mem>>
      %dma_start3A = tpu.memref_slice %arg3[%mul3A_38] : memref<262144xf32, #tpu.memory_space<hbm>> -> memref<16384xf32, #tpu.memory_space<hbm>>
      %dma_start3A_39 = tpu.memref_slice %arg3[%mul3A_38] : memref<262144xf32, #tpu.memory_space<hbm>> -> memref<16384xf32, #tpu.memory_space<hbm>>
      tpu.enqueue_dma source(%arg4 : memref<16384xf32, #tpu.memory_space<vmem>>) target(%dma_start3A_39 : memref<16384xf32, #tpu.memory_space<hbm>>) target_semaphore(%run_scoped3A : memref<!tpu.dma_semaphore, #tpu.memory_space<semaphore_mem>>)
      %dma_wait3A = tpu.memref_slice %arg3[%mul3A_38] : memref<262144xf32, #tpu.memory_space<hbm>> -> memref<16384xf32, #tpu.memory_space<hbm>>
      %dma_wait3A_40 = tpu.memref_slice %arg3[%mul3A_38] : memref<262144xf32, #tpu.memory_space<hbm>> -> memref<16384xf32, #tpu.memory_space<hbm>>
      tpu.wait_dma2 semaphore(%run_scoped3A : memref<!tpu.dma_semaphore, #tpu.memory_space<semaphore_mem>>) src(%arg4 : memref<16384xf32, #tpu.memory_space<vmem>>) dst(%dma_wait3A_40 : memref<16384xf32, #tpu.memory_space<hbm>>)
      tpu.yield
    }) : () -> ()
    return
  }
}

module attributes {stable_mosaic.version = 14 : i64} {
  func.func @_tc_head_body(%arg0: i32, %arg1: memref<32x16384xbf16, #tpu.memory_space<vmem>>, %arg2: memref<64x16384xf32, #tpu.memory_space<vmem>>, %arg3: memref<1x64xf32, #tpu.memory_space<vmem>>, %arg4: memref<32x64xf32, #tpu.memory_space<vmem>>) attributes {dimension_semantics = [#tpu.dimension_semantics<arbitrary>], iteration_bounds = array<i64: 4>, scalar_prefetch = 0 : i64, scratch_operands = 0 : i64, tpu.core_type = #tpu.core_type<tc>, window_params = [{transform_indices = @transform_0, window_bounds = array<i64: 32, 16384>}, {transform_indices = @transform_1, window_bounds = array<i64: 64, 16384>}, {pipeline_mode = #tpu.pipeline_mode<synchronous>, transform_indices = @transform_2, window_bounds = array<i64: 1, 64>}, {pipeline_mode = #tpu.pipeline_mode<synchronous>, transform_indices = @transform_3, window_bounds = array<i64: 32, 64>}]} {
    %eq3A = arith.constant 0 : i32
    %eq3A_0 = arith.cmpi eq, %arg0, %eq3A : i32
    %convert_element_type3A = arith.extui %eq3A_0 : i1 to i32
    %cond3A = arith.constant 0 : i32
    %cond3A_1 = arith.cmpi ne, %convert_element_type3A, %cond3A : i32
    scf.if %cond3A_1 {
      %broadcast_in_dim3A = arith.constant 0.000000e+00 : f32
      %broadcast_in_dim3A_19 = vector.broadcast %broadcast_in_dim3A : f32 to vector<32x64xf32>
      %swap3A_20 = arith.constant 0 : index
      %swap3A_21 = arith.constant 0 : index
      %swap3A_22 = vector.load %arg4[%swap3A_20, %swap3A_21] : memref<32x64xf32, #tpu.memory_space<vmem>>, vector<32x64xf32>
      tpu.vector_store %arg4[%swap3A_20, %swap3A_21], %broadcast_in_dim3A_19 {strides = array<i32>} : memref<32x64xf32, #tpu.memory_space<vmem>>, vector<32x64xf32>,
    } else {
    }
    %get3A = arith.constant 0 : index
    %get3A_2 = arith.constant 0 : index
    %get3A_3 = vector.load %arg4[%get3A, %get3A_2] : memref<32x64xf32, #tpu.memory_space<vmem>>, vector<32x64xf32>
    %get3A_4 = arith.constant 0 : index
    %get3A_5 = arith.constant 0 : index
    %get3A_6 = vector.load %arg1[%get3A_4, %get3A_5] : memref<32x16384xbf16, #tpu.memory_space<vmem>>, vector<32x16384xbf16>
    %convert_element_type3A_7 = arith.extf %get3A_6 : vector<32x16384xbf16> to vector<32x16384xf32>
    %get3A_8 = arith.constant 0 : index
    %get3A_9 = arith.constant 0 : index
    %get3A_10 = vector.load %arg2[%get3A_8, %get3A_9] : memref<64x16384xf32, #tpu.memory_space<vmem>>, vector<64x16384xf32>
    %dot_general3A = arith.constant dense<0.000000e+00> : vector<32x64xf32>
    %dot_general3A_11 = tpu.matmul %convert_element_type3A_7, %get3A_10, %dot_general3A {dimension_numbers = #tpu.dot_dimension_numbers<[1], [1], [0], [0], [0, 0, 1, 0], [], []>, transpose_lhs_hint = false} : vector<32x16384xf32>, vector<64x16384xf32>, vector<32x64xf32> -> vector<32x64xf32>
    %add3A = arith.addf %get3A_3, %dot_general3A_11 : vector<32x64xf32>
    %swap3A = arith.constant 0 : index
    %swap3A_12 = arith.constant 0 : index
    %swap3A_13 = vector.load %arg4[%swap3A, %swap3A_12] : memref<32x64xf32, #tpu.memory_space<vmem>>, vector<32x64xf32>
    tpu.vector_store %arg4[%swap3A, %swap3A_12], %add3A {strides = array<i32>} : memref<32x64xf32, #tpu.memory_space<vmem>>, vector<32x64xf32>,
    %eq3A_14 = arith.constant 3 : i32
    %eq3A_15 = arith.cmpi eq, %arg0, %eq3A_14 : i32
    %convert_element_type3A_16 = arith.extui %eq3A_15 : i1 to i32
    %cond3A_17 = arith.constant 0 : i32
    %cond3A_18 = arith.cmpi ne, %convert_element_type3A_16, %cond3A_17 : i32
    scf.if %cond3A_18 {
      %get3A_19 = arith.constant 0 : index
      %get3A_20 = arith.constant 0 : index
      %get3A_21 = vector.load %arg4[%get3A_19, %get3A_20] : memref<32x64xf32, #tpu.memory_space<vmem>>, vector<32x64xf32>
      %get3A_22 = arith.constant 0 : index
      %get3A_23 = arith.constant 0 : index
      %get3A_24 = vector.load %arg3[%get3A_22, %get3A_23] : memref<1x64xf32, #tpu.memory_space<vmem>>, vector<1x64xf32>
      %add3A_25 = vector.broadcast %get3A_24 : vector<1x64xf32> to vector<32x64xf32>
      %add3A_26 = arith.addf %get3A_21, %add3A_25 : vector<32x64xf32>
      %tanh3A = math.tanh %add3A_26 : vector<32x64xf32>
      %swap3A_27 = arith.constant 0 : index
      %swap3A_28 = arith.constant 0 : index
      %swap3A_29 = vector.load %arg4[%swap3A_27, %swap3A_28] : memref<32x64xf32, #tpu.memory_space<vmem>>, vector<32x64xf32>
      tpu.vector_store %arg4[%swap3A_27, %swap3A_28], %tanh3A {strides = array<i32>} : memref<32x64xf32, #tpu.memory_space<vmem>>, vector<32x64xf32>,
    } else {
    }
    return
  }
  func.func @transform_0(%arg0: i32) -> (i32, i32) {
    %c0_i32 = arith.constant 0 : i32
    %c0_i32_0 = arith.constant 0 : i32
    return %c0_i32, %arg0 : i32, i32
  }
  func.func @transform_1(%arg0: i32) -> (i32, i32) {
    %c0_i32 = arith.constant 0 : i32
    %c0_i32_0 = arith.constant 0 : i32
    return %c0_i32, %arg0 : i32, i32
  }
  func.func @transform_2(%arg0: i32) -> (i32, i32) {
    %c0_i32 = arith.constant 0 : i32
    %c0_i32_0 = arith.constant 0 : i32
    %c0_i32_1 = arith.constant 0 : i32
    return %c0_i32, %c0_i32_0 : i32, i32
  }
  func.func @transform_3(%arg0: i32) -> (i32, i32) {
    %c0_i32 = arith.constant 0 : i32
    %c0_i32_0 = arith.constant 0 : i32
    %c0_i32_1 = arith.constant 0 : i32
    return %c0_i32, %c0_i32_0 : i32, i32
  }
}

module attributes {stable_mosaic.version = 14 : i64} {
  func.func @_tc_gnn_body(%arg0: i32, %arg1: memref<512x512xf32, #tpu.memory_space<vmem>>, %arg2: memref<32x512xf32, #tpu.memory_space<vmem>>, %arg3: memref<512x128xf32, #tpu.memory_space<vmem>>, %arg4: memref<1x128xf32, #tpu.memory_space<vmem>>, %arg5: memref<128x128xf32, #tpu.memory_space<vmem>>, %arg6: memref<1x128xf32, #tpu.memory_space<vmem>>, %arg7: memref<16384x128xbf16, #tpu.memory_space<vmem>>, %arg8: memref<512x4096xf32, #tpu.memory_space<vmem>>, %arg9: memref<512x4096xf32, #tpu.memory_space<vmem>>) attributes {dimension_semantics = [#tpu.dimension_semantics<arbitrary>], iteration_bounds = array<i64: 1>, scalar_prefetch = 0 : i64, scratch_operands = 2 : i64, tpu.core_type = #tpu.core_type<tc>, window_params = [{pipeline_mode = #tpu.pipeline_mode<synchronous>, transform_indices = @transform_0, window_bounds = array<i64: 512, 512>}, {pipeline_mode = #tpu.pipeline_mode<synchronous>, transform_indices = @transform_1, window_bounds = array<i64: 32, 512>}, {pipeline_mode = #tpu.pipeline_mode<synchronous>, transform_indices = @transform_2, window_bounds = array<i64: 512, 128>}, {pipeline_mode = #tpu.pipeline_mode<synchronous>, transform_indices = @transform_3, window_bounds = array<i64: 1, 128>}, {pipeline_mode = #tpu.pipeline_mode<synchronous>, transform_indices = @transform_4, window_bounds = array<i64: 128, 128>}, {pipeline_mode = #tpu.pipeline_mode<synchronous>, transform_indices = @transform_5, window_bounds = array<i64: 1, 128>}, {transform_indices = @transform_6, window_bounds = array<i64: 16384, 128>}]} {
    %eq3A = arith.constant 0 : i32
    %eq3A_0 = arith.cmpi eq, %arg0, %eq3A : i32
    %convert_element_type3A = arith.extui %eq3A_0 : i1 to i32
    %cond3A = arith.constant 0 : i32
    %cond3A_1 = arith.cmpi ne, %convert_element_type3A, %cond3A : i32
    scf.if %cond3A_1 {
      %get3A_642 = arith.constant 0 : index
      %get3A_643 = arith.constant 0 : index
      %get3A_644 = vector.load %arg1[%get3A_642, %get3A_643] : memref<512x512xf32, #tpu.memory_space<vmem>>, vector<512x512xf32>
      %reduce_sum3A = arith.constant dense<0.000000e+00> : vector<512xf32>
      %reduce_sum3A_645 = vector.multi_reduction <add>, %get3A_644, %reduce_sum3A [1] : vector<512x512xf32> to vector<512xf32>
      %broadcast_in_dim3A = vector.shape_cast %reduce_sum3A_645 : vector<512xf32> to vector<512x1xf32>
      %max3A_646 = arith.constant 1.000000e+00 : f32
      %max3A_647 = vector.broadcast %max3A_646 : f32 to vector<512x1xf32>
      %max3A_648 = arith.maximumf %broadcast_in_dim3A, %max3A_647 : vector<512x1xf32>
      %div3A = vector.broadcast %max3A_648 : vector<512x1xf32> to vector<512x512xf32>
      %div3A_649 = arith.divf %get3A_644, %div3A : vector<512x512xf32>
      %dot_general3A_650 = arith.constant dense<0.000000e+00> : vector<512x512xf32>
      %dot_general3A_651 = tpu.matmul %div3A_649, %get3A_644, %dot_general3A_650 {dimension_numbers = #tpu.dot_dimension_numbers<[1], [0], [0], [1], [0, 0, 1, 1], [], []>, transpose_lhs_hint = false} : vector<512x512xf32>, vector<512x512xf32>, vector<512x512xf32> -> vector<512x512xf32>
      %get3A_652 = arith.constant 0 : index
      %get3A_653 = arith.constant 0 : index
      %get3A_654 = vector.load %arg2[%get3A_652, %get3A_653] : memref<32x512xf32, #tpu.memory_space<vmem>>, vector<32x512xf32>
      %transpose3A = tpu.transpose %get3A_654, [1, 0] : vector<32x512xf32> -> vector<512x32xf32>
      %get3A_655 = arith.constant 0 : index
      %get3A_656 = arith.constant 0 : index
      %get3A_657 = vector.load %arg3[%get3A_655, %get3A_656] : memref<512x128xf32, #tpu.memory_space<vmem>>, vector<512x128xf32>
      %get3A_658 = arith.constant 0 : index
      %get3A_659 = arith.constant 0 : index
      %get3A_660 = vector.load %arg4[%get3A_658, %get3A_659] : memref<1x128xf32, #tpu.memory_space<vmem>>, vector<1x128xf32>
      %slice3A = vector.extract_strided_slice %transpose3A {offsets = [0, 0], sizes = [512, 1], strides = [1, 1]} : vector<512x32xf32> to vector<512x1xf32>
      %mul3A_661 = vector.broadcast %slice3A : vector<512x1xf32> to vector<512x128xf32>
      %mul3A_662 = arith.mulf %mul3A_661, %get3A_657 : vector<512x128xf32>
      %swap3A_663 = arith.constant 0 : index
      %swap3A_664 = arith.constant 0 : index
      %swap3A_665 = vector.load %arg8[%swap3A_663, %swap3A_664] : memref<512x4096xf32, #tpu.memory_space<vmem>>, vector<512x128xf32>
      tpu.vector_store %arg8[%swap3A_663, %swap3A_664], %mul3A_662 {strides = array<i32>} : memref<512x4096xf32, #tpu.memory_space<vmem>>, vector<512x128xf32>,
      %slice3A_666 = vector.extract_strided_slice %transpose3A {offsets = [0, 1], sizes = [512, 1], strides = [1, 1]} : vector<512x32xf32> to vector<512x1xf32>
      %mul3A_667 = vector.broadcast %slice3A_666 : vector<512x1xf32> to vector<512x128xf32>
      %mul3A_668 = arith.mulf %mul3A_667, %get3A_657 : vector<512x128xf32>
      %swap3A_669 = arith.constant 0 : index
      %swap3A_670 = arith.constant 128 : index
      %swap3A_671 = vector.load %arg8[%swap3A_669, %swap3A_670] : memref<512x4096xf32, #tpu.memory_space<vmem>>, vector<512x128xf32>
      tpu.vector_store %arg8[%swap3A_669, %swap3A_670], %mul3A_668 {strides = array<i32>} : memref<512x4096xf32, #tpu.memory_space<vmem>>, vector<512x128xf32>,
      %slice3A_672 = vector.extract_strided_slice %transpose3A {offsets = [0, 2], sizes = [512, 1], strides = [1, 1]} : vector<512x32xf32> to vector<512x1xf32>
      %mul3A_673 = vector.broadcast %slice3A_672 : vector<512x1xf32> to vector<512x128xf32>
      %mul3A_674 = arith.mulf %mul3A_673, %get3A_657 : vector<512x128xf32>
      %swap3A_675 = arith.constant 0 : index
      %swap3A_676 = arith.constant 256 : index
      %swap3A_677 = vector.load %arg8[%swap3A_675, %swap3A_676] : memref<512x4096xf32, #tpu.memory_space<vmem>>, vector<512x128xf32>
      tpu.vector_store %arg8[%swap3A_675, %swap3A_676], %mul3A_674 {strides = array<i32>} : memref<512x4096xf32, #tpu.memory_space<vmem>>, vector<512x128xf32>,
      %slice3A_678 = vector.extract_strided_slice %transpose3A {offsets = [0, 3], sizes = [512, 1], strides = [1, 1]} : vector<512x32xf32> to vector<512x1xf32>
      %mul3A_679 = vector.broadcast %slice3A_678 : vector<512x1xf32> to vector<512x128xf32>
      %mul3A_680 = arith.mulf %mul3A_679, %get3A_657 : vector<512x128xf32>
      %swap3A_681 = arith.constant 0 : index
      %swap3A_682 = arith.constant 384 : index
      %swap3A_683 = vector.load %arg8[%swap3A_681, %swap3A_682] : memref<512x4096xf32, #tpu.memory_space<vmem>>, vector<512x128xf32>
      tpu.vector_store %arg8[%swap3A_681, %swap3A_682], %mul3A_680 {strides = array<i32>} : memref<512x4096xf32, #tpu.memory_space<vmem>>, vector<512x128xf32>,
      %slice3A_684 = vector.extract_strided_slice %transpose3A {offsets = [0, 4], sizes = [512, 1], strides = [1, 1]} : vector<512x32xf32> to vector<512x1xf32>
      %mul3A_685 = vector.broadcast %slice3A_684 : vector<512x1xf32> to vector<512x128xf32>
      %mul3A_686 = arith.mulf %mul3A_685, %get3A_657 : vector<512x128xf32>
      %swap3A_687 = arith.constant 0 : index
      %swap3A_688 = arith.constant 512 : index
      %swap3A_689 = vector.load %arg8[%swap3A_687, %swap3A_688] : memref<512x4096xf32, #tpu.memory_space<vmem>>, vector<512x128xf32>
      tpu.vector_store %arg8[%swap3A_687, %swap3A_688], %mul3A_686 {strides = array<i32>} : memref<512x4096xf32, #tpu.memory_space<vmem>>, vector<512x128xf32>,
      %slice3A_690 = vector.extract_strided_slice %transpose3A {offsets = [0, 5], sizes = [512, 1], strides = [1, 1]} : vector<512x32xf32> to vector<512x1xf32>
      %mul3A_691 = vector.broadcast %slice3A_690 : vector<512x1xf32> to vector<512x128xf32>
      %mul3A_692 = arith.mulf %mul3A_691, %get3A_657 : vector<512x128xf32>
      %swap3A_693 = arith.constant 0 : index
      %swap3A_694 = arith.constant 640 : index
      %swap3A_695 = vector.load %arg8[%swap3A_693, %swap3A_694] : memref<512x4096xf32, #tpu.memory_space<vmem>>, vector<512x128xf32>
      tpu.vector_store %arg8[%swap3A_693, %swap3A_694], %mul3A_692 {strides = array<i32>} : memref<512x4096xf32, #tpu.memory_space<vmem>>, vector<512x128xf32>,
      %slice3A_696 = vector.extract_strided_slice %transpose3A {offsets = [0, 6], sizes = [512, 1], strides = [1, 1]} : vector<512x32xf32> to vector<512x1xf32>
      %mul3A_697 = vector.broadcast %slice3A_696 : vector<512x1xf32> to vector<512x128xf32>
      %mul3A_698 = arith.mulf %mul3A_697, %get3A_657 : vector<512x128xf32>
      %swap3A_699 = arith.constant 0 : index
      %swap3A_700 = arith.constant 768 : index
      %swap3A_701 = vector.load %arg8[%swap3A_699, %swap3A_700] : memref<512x4096xf32, #tpu.memory_space<vmem>>, vector<512x128xf32>
      tpu.vector_store %arg8[%swap3A_699, %swap3A_700], %mul3A_698 {strides = array<i32>} : memref<512x4096xf32, #tpu.memory_space<vmem>>, vector<512x128xf32>,
      %slice3A_702 = vector.extract_strided_slice %transpose3A {offsets = [0, 7], sizes = [512, 1], strides = [1, 1]} : vector<512x32xf32> to vector<512x1xf32>
      %mul3A_703 = vector.broadcast %slice3A_702 : vector<512x1xf32> to vector<512x128xf32>
      %mul3A_704 = arith.mulf %mul3A_703, %get3A_657 : vector<512x128xf32>
      %swap3A_705 = arith.constant 0 : index
      %swap3A_706 = arith.constant 896 : index
      %swap3A_707 = vector.load %arg8[%swap3A_705, %swap3A_706] : memref<512x4096xf32, #tpu.memory_space<vmem>>, vector<512x128xf32>
      tpu.vector_store %arg8[%swap3A_705, %swap3A_706], %mul3A_704 {strides = array<i32>} : memref<512x4096xf32, #tpu.memory_space<vmem>>, vector<512x128xf32>,
      %slice3A_708 = vector.extract_strided_slice %transpose3A {offsets = [0, 8], sizes = [512, 1], strides = [1, 1]} : vector<512x32xf32> to vector<512x1xf32>
      %mul3A_709 = vector.broadcast %slice3A_708 : vector<512x1xf32> to vector<512x128xf32>
      %mul3A_710 = arith.mulf %mul3A_709, %get3A_657 : vector<512x128xf32>
      %swap3A_711 = arith.constant 0 : index
      %swap3A_712 = arith.constant 1024 : index
      %swap3A_713 = vector.load %arg8[%swap3A_711, %swap3A_712] : memref<512x4096xf32, #tpu.memory_space<vmem>>, vector<512x128xf32>
      tpu.vector_store %arg8[%swap3A_711, %swap3A_712], %mul3A_710 {strides = array<i32>} : memref<512x4096xf32, #tpu.memory_space<vmem>>, vector<512x128xf32>,
      %slice3A_714 = vector.extract_strided_slice %transpose3A {offsets = [0, 9], sizes = [512, 1], strides = [1, 1]} : vector<512x32xf32> to vector<512x1xf32>
      %mul3A_715 = vector.broadcast %slice3A_714 : vector<512x1xf32> to vector<512x128xf32>
      %mul3A_716 = arith.mulf %mul3A_715, %get3A_657 : vector<512x128xf32>
      %swap3A_717 = arith.constant 0 : index
      %swap3A_718 = arith.constant 1152 : index
      %swap3A_719 = vector.load %arg8[%swap3A_717, %swap3A_718] : memref<512x4096xf32, #tpu.memory_space<vmem>>, vector<512x128xf32>
      tpu.vector_store %arg8[%swap3A_717, %swap3A_718], %mul3A_716 {strides = array<i32>} : memref<512x4096xf32, #tpu.memory_space<vmem>>, vector<512x128xf32>,
      %slice3A_720 = vector.extract_strided_slice %transpose3A {offsets = [0, 10], sizes = [512, 1], strides = [1, 1]} : vector<512x32xf32> to vector<512x1xf32>
      %mul3A_721 = vector.broadcast %slice3A_720 : vector<512x1xf32> to vector<512x128xf32>
      %mul3A_722 = arith.mulf %mul3A_721, %get3A_657 : vector<512x128xf32>
      %swap3A_723 = arith.constant 0 : index
      %swap3A_724 = arith.constant 1280 : index
      %swap3A_725 = vector.load %arg8[%swap3A_723, %swap3A_724] : memref<512x4096xf32, #tpu.memory_space<vmem>>, vector<512x128xf32>
      tpu.vector_store %arg8[%swap3A_723, %swap3A_724], %mul3A_722 {strides = array<i32>} : memref<512x4096xf32, #tpu.memory_space<vmem>>, vector<512x128xf32>,
      %slice3A_726 = vector.extract_strided_slice %transpose3A {offsets = [0, 11], sizes = [512, 1], strides = [1, 1]} : vector<512x32xf32> to vector<512x1xf32>
      %mul3A_727 = vector.broadcast %slice3A_726 : vector<512x1xf32> to vector<512x128xf32>
      %mul3A_728 = arith.mulf %mul3A_727, %get3A_657 : vector<512x128xf32>
      %swap3A_729 = arith.constant 0 : index
      %swap3A_730 = arith.constant 1408 : index
      %swap3A_731 = vector.load %arg8[%swap3A_729, %swap3A_730] : memref<512x4096xf32, #tpu.memory_space<vmem>>, vector<512x128xf32>
      tpu.vector_store %arg8[%swap3A_729, %swap3A_730], %mul3A_728 {strides = array<i32>} : memref<512x4096xf32, #tpu.memory_space<vmem>>, vector<512x128xf32>,
      %slice3A_732 = vector.extract_strided_slice %transpose3A {offsets = [0, 12], sizes = [512, 1], strides = [1, 1]} : vector<512x32xf32> to vector<512x1xf32>
      %mul3A_733 = vector.broadcast %slice3A_732 : vector<512x1xf32> to vector<512x128xf32>
      %mul3A_734 = arith.mulf %mul3A_733, %get3A_657 : vector<512x128xf32>
      %swap3A_735 = arith.constant 0 : index
      %swap3A_736 = arith.constant 1536 : index
      %swap3A_737 = vector.load %arg8[%swap3A_735, %swap3A_736] : memref<512x4096xf32, #tpu.memory_space<vmem>>, vector<512x128xf32>
      tpu.vector_store %arg8[%swap3A_735, %swap3A_736], %mul3A_734 {strides = array<i32>} : memref<512x4096xf32, #tpu.memory_space<vmem>>, vector<512x128xf32>,
      %slice3A_738 = vector.extract_strided_slice %transpose3A {offsets = [0, 13], sizes = [512, 1], strides = [1, 1]} : vector<512x32xf32> to vector<512x1xf32>
      %mul3A_739 = vector.broadcast %slice3A_738 : vector<512x1xf32> to vector<512x128xf32>
      %mul3A_740 = arith.mulf %mul3A_739, %get3A_657 : vector<512x128xf32>
      %swap3A_741 = arith.constant 0 : index
      %swap3A_742 = arith.constant 1664 : index
      %swap3A_743 = vector.load %arg8[%swap3A_741, %swap3A_742] : memref<512x4096xf32, #tpu.memory_space<vmem>>, vector<512x128xf32>
      tpu.vector_store %arg8[%swap3A_741, %swap3A_742], %mul3A_740 {strides = array<i32>} : memref<512x4096xf32, #tpu.memory_space<vmem>>, vector<512x128xf32>,
      %slice3A_744 = vector.extract_strided_slice %transpose3A {offsets = [0, 14], sizes = [512, 1], strides = [1, 1]} : vector<512x32xf32> to vector<512x1xf32>
      %mul3A_745 = vector.broadcast %slice3A_744 : vector<512x1xf32> to vector<512x128xf32>
      %mul3A_746 = arith.mulf %mul3A_745, %get3A_657 : vector<512x128xf32>
      %swap3A_747 = arith.constant 0 : index
      %swap3A_748 = arith.constant 1792 : index
      %swap3A_749 = vector.load %arg8[%swap3A_747, %swap3A_748] : memref<512x4096xf32, #tpu.memory_space<vmem>>, vector<512x128xf32>
      tpu.vector_store %arg8[%swap3A_747, %swap3A_748], %mul3A_746 {strides = array<i32>} : memref<512x4096xf32, #tpu.memory_space<vmem>>, vector<512x128xf32>,
      %slice3A_750 = vector.extract_strided_slice %transpose3A {offsets = [0, 15], sizes = [512, 1], strides = [1, 1]} : vector<512x32xf32> to vector<512x1xf32>
      %mul3A_751 = vector.broadcast %slice3A_750 : vector<512x1xf32> to vector<512x128xf32>
      %mul3A_752 = arith.mulf %mul3A_751, %get3A_657 : vector<512x128xf32>
      %swap3A_753 = arith.constant 0 : index
      %swap3A_754 = arith.constant 1920 : index
      %swap3A_755 = vector.load %arg8[%swap3A_753, %swap3A_754] : memref<512x4096xf32, #tpu.memory_space<vmem>>, vector<512x128xf32>
      tpu.vector_store %arg8[%swap3A_753, %swap3A_754], %mul3A_752 {strides = array<i32>} : memref<512x4096xf32, #tpu.memory_space<vmem>>, vector<512x128xf32>,
      %slice3A_756 = vector.extract_strided_slice %transpose3A {offsets = [0, 16], sizes = [512, 1], strides = [1, 1]} : vector<512x32xf32> to vector<512x1xf32>
      %mul3A_757 = vector.broadcast %slice3A_756 : vector<512x1xf32> to vector<512x128xf32>
      %mul3A_758 = arith.mulf %mul3A_757, %get3A_657 : vector<512x128xf32>
      %swap3A_759 = arith.constant 0 : index
      %swap3A_760 = arith.constant 2048 : index
      %swap3A_761 = vector.load %arg8[%swap3A_759, %swap3A_760] : memref<512x4096xf32, #tpu.memory_space<vmem>>, vector<512x128xf32>
      tpu.vector_store %arg8[%swap3A_759, %swap3A_760], %mul3A_758 {strides = array<i32>} : memref<512x4096xf32, #tpu.memory_space<vmem>>, vector<512x128xf32>,
      %slice3A_762 = vector.extract_strided_slice %transpose3A {offsets = [0, 17], sizes = [512, 1], strides = [1, 1]} : vector<512x32xf32> to vector<512x1xf32>
      %mul3A_763 = vector.broadcast %slice3A_762 : vector<512x1xf32> to vector<512x128xf32>
      %mul3A_764 = arith.mulf %mul3A_763, %get3A_657 : vector<512x128xf32>
      %swap3A_765 = arith.constant 0 : index
      %swap3A_766 = arith.constant 2176 : index
      %swap3A_767 = vector.load %arg8[%swap3A_765, %swap3A_766] : memref<512x4096xf32, #tpu.memory_space<vmem>>, vector<512x128xf32>
      tpu.vector_store %arg8[%swap3A_765, %swap3A_766], %mul3A_764 {strides = array<i32>} : memref<512x4096xf32, #tpu.memory_space<vmem>>, vector<512x128xf32>,
      %slice3A_768 = vector.extract_strided_slice %transpose3A {offsets = [0, 18], sizes = [512, 1], strides = [1, 1]} : vector<512x32xf32> to vector<512x1xf32>
      %mul3A_769 = vector.broadcast %slice3A_768 : vector<512x1xf32> to vector<512x128xf32>
      %mul3A_770 = arith.mulf %mul3A_769, %get3A_657 : vector<512x128xf32>
      %swap3A_771 = arith.constant 0 : index
      %swap3A_772 = arith.constant 2304 : index
      %swap3A_773 = vector.load %arg8[%swap3A_771, %swap3A_772] : memref<512x4096xf32, #tpu.memory_space<vmem>>, vector<512x128xf32>
      tpu.vector_store %arg8[%swap3A_771, %swap3A_772], %mul3A_770 {strides = array<i32>} : memref<512x4096xf32, #tpu.memory_space<vmem>>, vector<512x128xf32>,
      %slice3A_774 = vector.extract_strided_slice %transpose3A {offsets = [0, 19], sizes = [512, 1], strides = [1, 1]} : vector<512x32xf32> to vector<512x1xf32>
      %mul3A_775 = vector.broadcast %slice3A_774 : vector<512x1xf32> to vector<512x128xf32>
      %mul3A_776 = arith.mulf %mul3A_775, %get3A_657 : vector<512x128xf32>
      %swap3A_777 = arith.constant 0 : index
      %swap3A_778 = arith.constant 2432 : index
      %swap3A_779 = vector.load %arg8[%swap3A_777, %swap3A_778] : memref<512x4096xf32, #tpu.memory_space<vmem>>, vector<512x128xf32>
      tpu.vector_store %arg8[%swap3A_777, %swap3A_778], %mul3A_776 {strides = array<i32>} : memref<512x4096xf32, #tpu.memory_space<vmem>>, vector<512x128xf32>,
      %slice3A_780 = vector.extract_strided_slice %transpose3A {offsets = [0, 20], sizes = [512, 1], strides = [1, 1]} : vector<512x32xf32> to vector<512x1xf32>
      %mul3A_781 = vector.broadcast %slice3A_780 : vector<512x1xf32> to vector<512x128xf32>
      %mul3A_782 = arith.mulf %mul3A_781, %get3A_657 : vector<512x128xf32>
      %swap3A_783 = arith.constant 0 : index
      %swap3A_784 = arith.constant 2560 : index
      %swap3A_785 = vector.load %arg8[%swap3A_783, %swap3A_784] : memref<512x4096xf32, #tpu.memory_space<vmem>>, vector<512x128xf32>
      tpu.vector_store %arg8[%swap3A_783, %swap3A_784], %mul3A_782 {strides = array<i32>} : memref<512x4096xf32, #tpu.memory_space<vmem>>, vector<512x128xf32>,
      %slice3A_786 = vector.extract_strided_slice %transpose3A {offsets = [0, 21], sizes = [512, 1], strides = [1, 1]} : vector<512x32xf32> to vector<512x1xf32>
      %mul3A_787 = vector.broadcast %slice3A_786 : vector<512x1xf32> to vector<512x128xf32>
      %mul3A_788 = arith.mulf %mul3A_787, %get3A_657 : vector<512x128xf32>
      %swap3A_789 = arith.constant 0 : index
      %swap3A_790 = arith.constant 2688 : index
      %swap3A_791 = vector.load %arg8[%swap3A_789, %swap3A_790] : memref<512x4096xf32, #tpu.memory_space<vmem>>, vector<512x128xf32>
      tpu.vector_store %arg8[%swap3A_789, %swap3A_790], %mul3A_788 {strides = array<i32>} : memref<512x4096xf32, #tpu.memory_space<vmem>>, vector<512x128xf32>,
      %slice3A_792 = vector.extract_strided_slice %transpose3A {offsets = [0, 22], sizes = [512, 1], strides = [1, 1]} : vector<512x32xf32> to vector<512x1xf32>
      %mul3A_793 = vector.broadcast %slice3A_792 : vector<512x1xf32> to vector<512x128xf32>
      %mul3A_794 = arith.mulf %mul3A_793, %get3A_657 : vector<512x128xf32>
      %swap3A_795 = arith.constant 0 : index
      %swap3A_796 = arith.constant 2816 : index
      %swap3A_797 = vector.load %arg8[%swap3A_795, %swap3A_796] : memref<512x4096xf32, #tpu.memory_space<vmem>>, vector<512x128xf32>
      tpu.vector_store %arg8[%swap3A_795, %swap3A_796], %mul3A_794 {strides = array<i32>} : memref<512x4096xf32, #tpu.memory_space<vmem>>, vector<512x128xf32>,
      %slice3A_798 = vector.extract_strided_slice %transpose3A {offsets = [0, 23], sizes = [512, 1], strides = [1, 1]} : vector<512x32xf32> to vector<512x1xf32>
      %mul3A_799 = vector.broadcast %slice3A_798 : vector<512x1xf32> to vector<512x128xf32>
      %mul3A_800 = arith.mulf %mul3A_799, %get3A_657 : vector<512x128xf32>
      %swap3A_801 = arith.constant 0 : index
      %swap3A_802 = arith.constant 2944 : index
      %swap3A_803 = vector.load %arg8[%swap3A_801, %swap3A_802] : memref<512x4096xf32, #tpu.memory_space<vmem>>, vector<512x128xf32>
      tpu.vector_store %arg8[%swap3A_801, %swap3A_802], %mul3A_800 {strides = array<i32>} : memref<512x4096xf32, #tpu.memory_space<vmem>>, vector<512x128xf32>,
      %slice3A_804 = vector.extract_strided_slice %transpose3A {offsets = [0, 24], sizes = [512, 1], strides = [1, 1]} : vector<512x32xf32> to vector<512x1xf32>
      %mul3A_805 = vector.broadcast %slice3A_804 : vector<512x1xf32> to vector<512x128xf32>
      %mul3A_806 = arith.mulf %mul3A_805, %get3A_657 : vector<512x128xf32>
      %swap3A_807 = arith.constant 0 : index
      %swap3A_808 = arith.constant 3072 : index
      %swap3A_809 = vector.load %arg8[%swap3A_807, %swap3A_808] : memref<512x4096xf32, #tpu.memory_space<vmem>>, vector<512x128xf32>
      tpu.vector_store %arg8[%swap3A_807, %swap3A_808], %mul3A_806 {strides = array<i32>} : memref<512x4096xf32, #tpu.memory_space<vmem>>, vector<512x128xf32>,
      %slice3A_810 = vector.extract_strided_slice %transpose3A {offsets = [0, 25], sizes = [512, 1], strides = [1, 1]} : vector<512x32xf32> to vector<512x1xf32>
      %mul3A_811 = vector.broadcast %slice3A_810 : vector<512x1xf32> to vector<512x128xf32>
      %mul3A_812 = arith.mulf %mul3A_811, %get3A_657 : vector<512x128xf32>
      %swap3A_813 = arith.constant 0 : index
      %swap3A_814 = arith.constant 3200 : index
      %swap3A_815 = vector.load %arg8[%swap3A_813, %swap3A_814] : memref<512x4096xf32, #tpu.memory_space<vmem>>, vector<512x128xf32>
      tpu.vector_store %arg8[%swap3A_813, %swap3A_814], %mul3A_812 {strides = array<i32>} : memref<512x4096xf32, #tpu.memory_space<vmem>>, vector<512x128xf32>,
      %slice3A_816 = vector.extract_strided_slice %transpose3A {offsets = [0, 26], sizes = [512, 1], strides = [1, 1]} : vector<512x32xf32> to vector<512x1xf32>
      %mul3A_817 = vector.broadcast %slice3A_816 : vector<512x1xf32> to vector<512x128xf32>
      %mul3A_818 = arith.mulf %mul3A_817, %get3A_657 : vector<512x128xf32>
      %swap3A_819 = arith.constant 0 : index
      %swap3A_820 = arith.constant 3328 : index
      %swap3A_821 = vector.load %arg8[%swap3A_819, %swap3A_820] : memref<512x4096xf32, #tpu.memory_space<vmem>>, vector<512x128xf32>
      tpu.vector_store %arg8[%swap3A_819, %swap3A_820], %mul3A_818 {strides = array<i32>} : memref<512x4096xf32, #tpu.memory_space<vmem>>, vector<512x128xf32>,
      %slice3A_822 = vector.extract_strided_slice %transpose3A {offsets = [0, 27], sizes = [512, 1], strides = [1, 1]} : vector<512x32xf32> to vector<512x1xf32>
      %mul3A_823 = vector.broadcast %slice3A_822 : vector<512x1xf32> to vector<512x128xf32>
      %mul3A_824 = arith.mulf %mul3A_823, %get3A_657 : vector<512x128xf32>
      %swap3A_825 = arith.constant 0 : index
      %swap3A_826 = arith.constant 3456 : index
      %swap3A_827 = vector.load %arg8[%swap3A_825, %swap3A_826] : memref<512x4096xf32, #tpu.memory_space<vmem>>, vector<512x128xf32>
      tpu.vector_store %arg8[%swap3A_825, %swap3A_826], %mul3A_824 {strides = array<i32>} : memref<512x4096xf32, #tpu.memory_space<vmem>>, vector<512x128xf32>,
      %slice3A_828 = vector.extract_strided_slice %transpose3A {offsets = [0, 28], sizes = [512, 1], strides = [1, 1]} : vector<512x32xf32> to vector<512x1xf32>
      %mul3A_829 = vector.broadcast %slice3A_828 : vector<512x1xf32> to vector<512x128xf32>
      %mul3A_830 = arith.mulf %mul3A_829, %get3A_657 : vector<512x128xf32>
      %swap3A_831 = arith.constant 0 : index
      %swap3A_832 = arith.constant 3584 : index
      %swap3A_833 = vector.load %arg8[%swap3A_831, %swap3A_832] : memref<512x4096xf32, #tpu.memory_space<vmem>>, vector<512x128xf32>
      tpu.vector_store %arg8[%swap3A_831, %swap3A_832], %mul3A_830 {strides = array<i32>} : memref<512x4096xf32, #tpu.memory_space<vmem>>, vector<512x128xf32>,
      %slice3A_834 = vector.extract_strided_slice %transpose3A {offsets = [0, 29], sizes = [512, 1], strides = [1, 1]} : vector<512x32xf32> to vector<512x1xf32>
      %mul3A_835 = vector.broadcast %slice3A_834 : vector<512x1xf32> to vector<512x128xf32>
      %mul3A_836 = arith.mulf %mul3A_835, %get3A_657 : vector<512x128xf32>
      %swap3A_837 = arith.constant 0 : index
      %swap3A_838 = arith.constant 3712 : index
      %swap3A_839 = vector.load %arg8[%swap3A_837, %swap3A_838] : memref<512x4096xf32, #tpu.memory_space<vmem>>, vector<512x128xf32>
      tpu.vector_store %arg8[%swap3A_837, %swap3A_838], %mul3A_836 {strides = array<i32>} : memref<512x4096xf32, #tpu.memory_space<vmem>>, vector<512x128xf32>,
      %slice3A_840 = vector.extract_strided_slice %transpose3A {offsets = [0, 30], sizes = [512, 1], strides = [1, 1]} : vector<512x32xf32> to vector<512x1xf32>
      %mul3A_841 = vector.broadcast %slice3A_840 : vector<512x1xf32> to vector<512x128xf32>
      %mul3A_842 = arith.mulf %mul3A_841, %get3A_657 : vector<512x128xf32>
      %swap3A_843 = arith.constant 0 : index
      %swap3A_844 = arith.constant 3840 : index
      %swap3A_845 = vector.load %arg8[%swap3A_843, %swap3A_844] : memref<512x4096xf32, #tpu.memory_space<vmem>>, vector<512x128xf32>
      tpu.vector_store %arg8[%swap3A_843, %swap3A_844], %mul3A_842 {strides = array<i32>} : memref<512x4096xf32, #tpu.memory_space<vmem>>, vector<512x128xf32>,
      %slice3A_846 = vector.extract_strided_slice %transpose3A {offsets = [0, 31], sizes = [512, 1], strides = [1, 1]} : vector<512x32xf32> to vector<512x1xf32>
      %mul3A_847 = vector.broadcast %slice3A_846 : vector<512x1xf32> to vector<512x128xf32>
      %mul3A_848 = arith.mulf %mul3A_847, %get3A_657 : vector<512x128xf32>
      %swap3A_849 = arith.constant 0 : index
      %swap3A_850 = arith.constant 3968 : index
      %swap3A_851 = vector.load %arg8[%swap3A_849, %swap3A_850] : memref<512x4096xf32, #tpu.memory_space<vmem>>, vector<512x128xf32>
      tpu.vector_store %arg8[%swap3A_849, %swap3A_850], %mul3A_848 {strides = array<i32>} : memref<512x4096xf32, #tpu.memory_space<vmem>>, vector<512x128xf32>,
      %get3A_852 = arith.constant 0 : index
      %get3A_853 = arith.constant 0 : index
      %get3A_854 = vector.load %arg8[%get3A_852, %get3A_853] : memref<512x4096xf32, #tpu.memory_space<vmem>>, vector<512x4096xf32>
      %dot_general3A_855 = arith.constant dense<0.000000e+00> : vector<512x4096xf32>
      %dot_general3A_856 = tpu.matmul %dot_general3A_651, %get3A_854, %dot_general3A_855 {dimension_numbers = #tpu.dot_dimension_numbers<[1], [0], [0], [1], [0, 0, 1, 1], [], []>, transpose_lhs_hint = false} : vector<512x512xf32>, vector<512x4096xf32>, vector<512x4096xf32> -> vector<512x4096xf32>
      %tile3A = tpu.concatenate %get3A_660, %get3A_660, %get3A_660, %get3A_660, %get3A_660, %get3A_660, %get3A_660, %get3A_660, %get3A_660, %get3A_660, %get3A_660, %get3A_660, %get3A_660, %get3A_660, %get3A_660, %get3A_660, %get3A_660, %get3A_660, %get3A_660, %get3A_660, %get3A_660, %get3A_660, %get3A_660, %get3A_660, %get3A_660, %get3A_660, %get3A_660, %get3A_660, %get3A_660, %get3A_660, %get3A_660, %get3A_660 in 1 : vector<1x128xf32>, vector<1x128xf32>, vector<1x128xf32>, vector<1x128xf32>, vector<1x128xf32>, vector<1x128xf32>, vector<1x128xf32>, vector<1x128xf32>, vector<1x128xf32>, vector<1x128xf32>, vector<1x128xf32>, vector<1x128xf32>, vector<1x128xf32>, vector<1x128xf32>, vector<1x128xf32>, vector<1x128xf32>, vector<1x128xf32>, vector<1x128xf32>, vector<1x128xf32>, vector<1x128xf32>, vector<1x128xf32>, vector<1x128xf32>, vector<1x128xf32>, vector<1x128xf32>, vector<1x128xf32>, vector<1x128xf32>, vector<1x128xf32>, vector<1x128xf32>, vector<1x128xf32>, vector<1x128xf32>, vector<1x128xf32>, vector<1x128xf32> -> vector<1x4096xf32>
      %add3A_857 = vector.broadcast %tile3A : vector<1x4096xf32> to vector<512x4096xf32>
      %add3A_858 = arith.addf %dot_general3A_856, %add3A_857 : vector<512x4096xf32>
      %max3A_859 = arith.constant 0.000000e+00 : f32
      %max3A_860 = vector.broadcast %max3A_859 : f32 to vector<512x4096xf32>
      %max3A_861 = arith.maximumf %add3A_858, %max3A_860 : vector<512x4096xf32>
      %dot_general3A_862 = arith.constant dense<0.000000e+00> : vector<512x4096xf32>
      %dot_general3A_863 = tpu.matmul %div3A_649, %max3A_861, %dot_general3A_862 {dimension_numbers = #tpu.dot_dimension_numbers<[1], [0], [0], [1], [0, 0, 1, 1], [], []>, transpose_lhs_hint = false} : vector<512x512xf32>, vector<512x4096xf32>, vector<512x4096xf32> -> vector<512x4096xf32>
      %swap3A_864 = arith.constant 0 : index
      %swap3A_865 = arith.constant 0 : index
      %swap3A_866 = vector.load %arg9[%swap3A_864, %swap3A_865] : memref<512x4096xf32, #tpu.memory_space<vmem>>, vector<512x4096xf32>
      tpu.vector_store %arg9[%swap3A_864, %swap3A_865], %dot_general3A_863 {strides = array<i32>} : memref<512x4096xf32, #tpu.memory_space<vmem>>, vector<512x4096xf32>,
    } else {
    }
    %get3A = arith.constant 0 : index
    %get3A_2 = arith.constant 0 : index
    %get3A_3 = vector.load %arg5[%get3A, %get3A_2] : memref<128x128xf32, #tpu.memory_space<vmem>>, vector<128x128xf32>
    %get3A_4 = arith.constant 0 : index
    %get3A_5 = arith.constant 0 : index
    %get3A_6 = vector.load %arg6[%get3A_4, %get3A_5] : memref<1x128xf32, #tpu.memory_space<vmem>>, vector<1x128xf32>
    %mul3A = arith.constant 32 : i32
    %mul3A_7 = arith.muli %arg0, %mul3A : i32
    %add3A = arith.constant 0 : i32
    %add3A_8 = arith.addi %mul3A_7, %add3A : i32
    %mul3A_9 = arith.constant 128 : i32
    %mul3A_10 = arith.muli %add3A_8, %mul3A_9 : i32
    %get3A_11 = arith.constant 0 : index
    %get3A_12 = arith.index_cast %mul3A_10 : i32 to index
    %get3A_13 = vector.load %arg9[%get3A_11, %get3A_12] : memref<512x4096xf32, #tpu.memory_space<vmem>>, vector<512x128xf32>
    %dot_general3A = arith.constant dense<0.000000e+00> : vector<512x128xf32>
    %dot_general3A_14 = tpu.matmul %get3A_13, %get3A_3, %dot_general3A {dimension_numbers = #tpu.dot_dimension_numbers<[1], [0], [0], [1], [0, 0, 1, 1], [], []>, transpose_lhs_hint = false} : vector<512x128xf32>, vector<128x128xf32>, vector<512x128xf32> -> vector<512x128xf32>
    %add3A_15 = vector.broadcast %get3A_6 : vector<1x128xf32> to vector<512x128xf32>
    %add3A_16 = arith.addf %dot_general3A_14, %add3A_15 : vector<512x128xf32>
    %max3A = arith.constant 0.000000e+00 : f32
    %max3A_17 = vector.broadcast %max3A : f32 to vector<512x128xf32>
    %max3A_18 = arith.maximumf %add3A_16, %max3A_17 : vector<512x128xf32>
    %convert_element_type3A_19 = arith.truncf %max3A_18 : vector<512x128xf32> to vector<512x128xbf16>
    %swap3A = arith.constant 0 : index
    %swap3A_20 = arith.constant 0 : index
    %swap3A_21 = vector.load %arg7[%swap3A, %swap3A_20] : memref<16384x128xbf16, #tpu.memory_space<vmem>>, vector<512x128xbf16>
    tpu.vector_store %arg7[%swap3A, %swap3A_20], %convert_element_type3A_19 {strides = array<i32>} : memref<16384x128xbf16, #tpu.memory_space<vmem>>, vector<512x128xbf16>,
    %mul3A_22 = arith.constant 32 : i32
    %mul3A_23 = arith.muli %arg0, %mul3A_22 : i32
    %add3A_24 = arith.constant 1 : i32
    %add3A_25 = arith.addi %mul3A_23, %add3A_24 : i32
    %mul3A_26 = arith.constant 128 : i32
    %mul3A_27 = arith.muli %add3A_25, %mul3A_26 : i32
    %get3A_28 = arith.constant 0 : index
    %get3A_29 = arith.index_cast %mul3A_27 : i32 to index
    %get3A_30 = vector.load %arg9[%get3A_28, %get3A_29] : memref<512x4096xf32, #tpu.memory_space<vmem>>, vector<512x128xf32>
    %dot_general3A_31 = arith.constant dense<0.000000e+00> : vector<512x128xf32>
    %dot_general3A_32 = tpu.matmul %get3A_30, %get3A_3, %dot_general3A_31 {dimension_numbers = #tpu.dot_dimension_numbers<[1], [0], [0], [1], [0, 0, 1, 1], [], []>, transpose_lhs_hint = false} : vector<512x128xf32>, vector<128x128xf32>, vector<512x128xf32> -> vector<512x128xf32>
    %add3A_33 = vector.broadcast %get3A_6 : vector<1x128xf32> to vector<512x128xf32>
    %add3A_34 = arith.addf %dot_general3A_32, %add3A_33 : vector<512x128xf32>
    %max3A_35 = arith.constant 0.000000e+00 : f32
    %max3A_36 = vector.broadcast %max3A_35 : f32 to vector<512x128xf32>
    %max3A_37 = arith.maximumf %add3A_34, %max3A_36 : vector<512x128xf32>
    %convert_element_type3A_38 = arith.truncf %max3A_37 : vector<512x128xf32> to vector<512x128xbf16>
    %swap3A_39 = arith.constant 512 : index
    %swap3A_40 = arith.constant 0 : index
    %swap3A_41 = vector.load %arg7[%swap3A_39, %swap3A_40] : memref<16384x128xbf16, #tpu.memory_space<vmem>>, vector<512x128xbf16>
    tpu.vector_store %arg7[%swap3A_39, %swap3A_40], %convert_element_type3A_38 {strides = array<i32>} : memref<16384x128xbf16, #tpu.memory_space<vmem>>, vector<512x128xbf16>,
    %mul3A_42 = arith.constant 32 : i32
    %mul3A_43 = arith.muli %arg0, %mul3A_42 : i32
    %add3A_44 = arith.constant 2 : i32
    %add3A_45 = arith.addi %mul3A_43, %add3A_44 : i32
    %mul3A_46 = arith.constant 128 : i32
    %mul3A_47 = arith.muli %add3A_45, %mul3A_46 : i32
    %get3A_48 = arith.constant 0 : index
    %get3A_49 = arith.index_cast %mul3A_47 : i32 to index
    %get3A_50 = vector.load %arg9[%get3A_48, %get3A_49] : memref<512x4096xf32, #tpu.memory_space<vmem>>, vector<512x128xf32>
    %dot_general3A_51 = arith.constant dense<0.000000e+00> : vector<512x128xf32>
    %dot_general3A_52 = tpu.matmul %get3A_50, %get3A_3, %dot_general3A_51 {dimension_numbers = #tpu.dot_dimension_numbers<[1], [0], [0], [1], [0, 0, 1, 1], [], []>, transpose_lhs_hint = false} : vector<512x128xf32>, vector<128x128xf32>, vector<512x128xf32> -> vector<512x128xf32>
    %add3A_53 = vector.broadcast %get3A_6 : vector<1x128xf32> to vector<512x128xf32>
    %add3A_54 = arith.addf %dot_general3A_52, %add3A_53 : vector<512x128xf32>
    %max3A_55 = arith.constant 0.000000e+00 : f32
    %max3A_56 = vector.broadcast %max3A_55 : f32 to vector<512x128xf32>
    %max3A_57 = arith.maximumf %add3A_54, %max3A_56 : vector<512x128xf32>
    %convert_element_type3A_58 = arith.truncf %max3A_57 : vector<512x128xf32> to vector<512x128xbf16>
    %swap3A_59 = arith.constant 1024 : index
    %swap3A_60 = arith.constant 0 : index
    %swap3A_61 = vector.load %arg7[%swap3A_59, %swap3A_60] : memref<16384x128xbf16, #tpu.memory_space<vmem>>, vector<512x128xbf16>
    tpu.vector_store %arg7[%swap3A_59, %swap3A_60], %convert_element_type3A_58 {strides = array<i32>} : memref<16384x128xbf16, #tpu.memory_space<vmem>>, vector<512x128xbf16>,
    %mul3A_62 = arith.constant 32 : i32
    %mul3A_63 = arith.muli %arg0, %mul3A_62 : i32
    %add3A_64 = arith.constant 3 : i32
    %add3A_65 = arith.addi %mul3A_63, %add3A_64 : i32
    %mul3A_66 = arith.constant 128 : i32
    %mul3A_67 = arith.muli %add3A_65, %mul3A_66 : i32
    %get3A_68 = arith.constant 0 : index
    %get3A_69 = arith.index_cast %mul3A_67 : i32 to index
    %get3A_70 = vector.load %arg9[%get3A_68, %get3A_69] : memref<512x4096xf32, #tpu.memory_space<vmem>>, vector<512x128xf32>
    %dot_general3A_71 = arith.constant dense<0.000000e+00> : vector<512x128xf32>
    %dot_general3A_72 = tpu.matmul %get3A_70, %get3A_3, %dot_general3A_71 {dimension_numbers = #tpu.dot_dimension_numbers<[1], [0], [0], [1], [0, 0, 1, 1], [], []>, transpose_lhs_hint = false} : vector<512x128xf32>, vector<128x128xf32>, vector<512x128xf32> -> vector<512x128xf32>
    %add3A_73 = vector.broadcast %get3A_6 : vector<1x128xf32> to vector<512x128xf32>
    %add3A_74 = arith.addf %dot_general3A_72, %add3A_73 : vector<512x128xf32>
    %max3A_75 = arith.constant 0.000000e+00 : f32
    %max3A_76 = vector.broadcast %max3A_75 : f32 to vector<512x128xf32>
    %max3A_77 = arith.maximumf %add3A_74, %max3A_76 : vector<512x128xf32>
    %convert_element_type3A_78 = arith.truncf %max3A_77 : vector<512x128xf32> to vector<512x128xbf16>
    %swap3A_79 = arith.constant 1536 : index
    %swap3A_80 = arith.constant 0 : index
    %swap3A_81 = vector.load %arg7[%swap3A_79, %swap3A_80] : memref<16384x128xbf16, #tpu.memory_space<vmem>>, vector<512x128xbf16>
    tpu.vector_store %arg7[%swap3A_79, %swap3A_80], %convert_element_type3A_78 {strides = array<i32>} : memref<16384x128xbf16, #tpu.memory_space<vmem>>, vector<512x128xbf16>,
    %mul3A_82 = arith.constant 32 : i32
    %mul3A_83 = arith.muli %arg0, %mul3A_82 : i32
    %add3A_84 = arith.constant 4 : i32
    %add3A_85 = arith.addi %mul3A_83, %add3A_84 : i32
    %mul3A_86 = arith.constant 128 : i32
    %mul3A_87 = arith.muli %add3A_85, %mul3A_86 : i32
    %get3A_88 = arith.constant 0 : index
    %get3A_89 = arith.index_cast %mul3A_87 : i32 to index
    %get3A_90 = vector.load %arg9[%get3A_88, %get3A_89] : memref<512x4096xf32, #tpu.memory_space<vmem>>, vector<512x128xf32>
    %dot_general3A_91 = arith.constant dense<0.000000e+00> : vector<512x128xf32>
    %dot_general3A_92 = tpu.matmul %get3A_90, %get3A_3, %dot_general3A_91 {dimension_numbers = #tpu.dot_dimension_numbers<[1], [0], [0], [1], [0, 0, 1, 1], [], []>, transpose_lhs_hint = false} : vector<512x128xf32>, vector<128x128xf32>, vector<512x128xf32> -> vector<512x128xf32>
    %add3A_93 = vector.broadcast %get3A_6 : vector<1x128xf32> to vector<512x128xf32>
    %add3A_94 = arith.addf %dot_general3A_92, %add3A_93 : vector<512x128xf32>
    %max3A_95 = arith.constant 0.000000e+00 : f32
    %max3A_96 = vector.broadcast %max3A_95 : f32 to vector<512x128xf32>
    %max3A_97 = arith.maximumf %add3A_94, %max3A_96 : vector<512x128xf32>
    %convert_element_type3A_98 = arith.truncf %max3A_97 : vector<512x128xf32> to vector<512x128xbf16>
    %swap3A_99 = arith.constant 2048 : index
    %swap3A_100 = arith.constant 0 : index
    %swap3A_101 = vector.load %arg7[%swap3A_99, %swap3A_100] : memref<16384x128xbf16, #tpu.memory_space<vmem>>, vector<512x128xbf16>
    tpu.vector_store %arg7[%swap3A_99, %swap3A_100], %convert_element_type3A_98 {strides = array<i32>} : memref<16384x128xbf16, #tpu.memory_space<vmem>>, vector<512x128xbf16>,
    %mul3A_102 = arith.constant 32 : i32
    %mul3A_103 = arith.muli %arg0, %mul3A_102 : i32
    %add3A_104 = arith.constant 5 : i32
    %add3A_105 = arith.addi %mul3A_103, %add3A_104 : i32
    %mul3A_106 = arith.constant 128 : i32
    %mul3A_107 = arith.muli %add3A_105, %mul3A_106 : i32
    %get3A_108 = arith.constant 0 : index
    %get3A_109 = arith.index_cast %mul3A_107 : i32 to index
    %get3A_110 = vector.load %arg9[%get3A_108, %get3A_109] : memref<512x4096xf32, #tpu.memory_space<vmem>>, vector<512x128xf32>
    %dot_general3A_111 = arith.constant dense<0.000000e+00> : vector<512x128xf32>
    %dot_general3A_112 = tpu.matmul %get3A_110, %get3A_3, %dot_general3A_111 {dimension_numbers = #tpu.dot_dimension_numbers<[1], [0], [0], [1], [0, 0, 1, 1], [], []>, transpose_lhs_hint = false} : vector<512x128xf32>, vector<128x128xf32>, vector<512x128xf32> -> vector<512x128xf32>
    %add3A_113 = vector.broadcast %get3A_6 : vector<1x128xf32> to vector<512x128xf32>
    %add3A_114 = arith.addf %dot_general3A_112, %add3A_113 : vector<512x128xf32>
    %max3A_115 = arith.constant 0.000000e+00 : f32
    %max3A_116 = vector.broadcast %max3A_115 : f32 to vector<512x128xf32>
    %max3A_117 = arith.maximumf %add3A_114, %max3A_116 : vector<512x128xf32>
    %convert_element_type3A_118 = arith.truncf %max3A_117 : vector<512x128xf32> to vector<512x128xbf16>
    %swap3A_119 = arith.constant 2560 : index
    %swap3A_120 = arith.constant 0 : index
    %swap3A_121 = vector.load %arg7[%swap3A_119, %swap3A_120] : memref<16384x128xbf16, #tpu.memory_space<vmem>>, vector<512x128xbf16>
    tpu.vector_store %arg7[%swap3A_119, %swap3A_120], %convert_element_type3A_118 {strides = array<i32>} : memref<16384x128xbf16, #tpu.memory_space<vmem>>, vector<512x128xbf16>,
    %mul3A_122 = arith.constant 32 : i32
    %mul3A_123 = arith.muli %arg0, %mul3A_122 : i32
    %add3A_124 = arith.constant 6 : i32
    %add3A_125 = arith.addi %mul3A_123, %add3A_124 : i32
    %mul3A_126 = arith.constant 128 : i32
    %mul3A_127 = arith.muli %add3A_125, %mul3A_126 : i32
    %get3A_128 = arith.constant 0 : index
    %get3A_129 = arith.index_cast %mul3A_127 : i32 to index
    %get3A_130 = vector.load %arg9[%get3A_128, %get3A_129] : memref<512x4096xf32, #tpu.memory_space<vmem>>, vector<512x128xf32>
    %dot_general3A_131 = arith.constant dense<0.000000e+00> : vector<512x128xf32>
    %dot_general3A_132 = tpu.matmul %get3A_130, %get3A_3, %dot_general3A_131 {dimension_numbers = #tpu.dot_dimension_numbers<[1], [0], [0], [1], [0, 0, 1, 1], [], []>, transpose_lhs_hint = false} : vector<512x128xf32>, vector<128x128xf32>, vector<512x128xf32> -> vector<512x128xf32>
    %add3A_133 = vector.broadcast %get3A_6 : vector<1x128xf32> to vector<512x128xf32>
    %add3A_134 = arith.addf %dot_general3A_132, %add3A_133 : vector<512x128xf32>
    %max3A_135 = arith.constant 0.000000e+00 : f32
    %max3A_136 = vector.broadcast %max3A_135 : f32 to vector<512x128xf32>
    %max3A_137 = arith.maximumf %add3A_134, %max3A_136 : vector<512x128xf32>
    %convert_element_type3A_138 = arith.truncf %max3A_137 : vector<512x128xf32> to vector<512x128xbf16>
    %swap3A_139 = arith.constant 3072 : index
    %swap3A_140 = arith.constant 0 : index
    %swap3A_141 = vector.load %arg7[%swap3A_139, %swap3A_140] : memref<16384x128xbf16, #tpu.memory_space<vmem>>, vector<512x128xbf16>
    tpu.vector_store %arg7[%swap3A_139, %swap3A_140], %convert_element_type3A_138 {strides = array<i32>} : memref<16384x128xbf16, #tpu.memory_space<vmem>>, vector<512x128xbf16>,
    %mul3A_142 = arith.constant 32 : i32
    %mul3A_143 = arith.muli %arg0, %mul3A_142 : i32
    %add3A_144 = arith.constant 7 : i32
    %add3A_145 = arith.addi %mul3A_143, %add3A_144 : i32
    %mul3A_146 = arith.constant 128 : i32
    %mul3A_147 = arith.muli %add3A_145, %mul3A_146 : i32
    %get3A_148 = arith.constant 0 : index
    %get3A_149 = arith.index_cast %mul3A_147 : i32 to index
    %get3A_150 = vector.load %arg9[%get3A_148, %get3A_149] : memref<512x4096xf32, #tpu.memory_space<vmem>>, vector<512x128xf32>
    %dot_general3A_151 = arith.constant dense<0.000000e+00> : vector<512x128xf32>
    %dot_general3A_152 = tpu.matmul %get3A_150, %get3A_3, %dot_general3A_151 {dimension_numbers = #tpu.dot_dimension_numbers<[1], [0], [0], [1], [0, 0, 1, 1], [], []>, transpose_lhs_hint = false} : vector<512x128xf32>, vector<128x128xf32>, vector<512x128xf32> -> vector<512x128xf32>
    %add3A_153 = vector.broadcast %get3A_6 : vector<1x128xf32> to vector<512x128xf32>
    %add3A_154 = arith.addf %dot_general3A_152, %add3A_153 : vector<512x128xf32>
    %max3A_155 = arith.constant 0.000000e+00 : f32
    %max3A_156 = vector.broadcast %max3A_155 : f32 to vector<512x128xf32>
    %max3A_157 = arith.maximumf %add3A_154, %max3A_156 : vector<512x128xf32>
    %convert_element_type3A_158 = arith.truncf %max3A_157 : vector<512x128xf32> to vector<512x128xbf16>
    %swap3A_159 = arith.constant 3584 : index
    %swap3A_160 = arith.constant 0 : index
    %swap3A_161 = vector.load %arg7[%swap3A_159, %swap3A_160] : memref<16384x128xbf16, #tpu.memory_space<vmem>>, vector<512x128xbf16>
    tpu.vector_store %arg7[%swap3A_159, %swap3A_160], %convert_element_type3A_158 {strides = array<i32>} : memref<16384x128xbf16, #tpu.memory_space<vmem>>, vector<512x128xbf16>,
    %mul3A_162 = arith.constant 32 : i32
    %mul3A_163 = arith.muli %arg0, %mul3A_162 : i32
    %add3A_164 = arith.constant 8 : i32
    %add3A_165 = arith.addi %mul3A_163, %add3A_164 : i32
    %mul3A_166 = arith.constant 128 : i32
    %mul3A_167 = arith.muli %add3A_165, %mul3A_166 : i32
    %get3A_168 = arith.constant 0 : index
    %get3A_169 = arith.index_cast %mul3A_167 : i32 to index
    %get3A_170 = vector.load %arg9[%get3A_168, %get3A_169] : memref<512x4096xf32, #tpu.memory_space<vmem>>, vector<512x128xf32>
    %dot_general3A_171 = arith.constant dense<0.000000e+00> : vector<512x128xf32>
    %dot_general3A_172 = tpu.matmul %get3A_170, %get3A_3, %dot_general3A_171 {dimension_numbers = #tpu.dot_dimension_numbers<[1], [0], [0], [1], [0, 0, 1, 1], [], []>, transpose_lhs_hint = false} : vector<512x128xf32>, vector<128x128xf32>, vector<512x128xf32> -> vector<512x128xf32>
    %add3A_173 = vector.broadcast %get3A_6 : vector<1x128xf32> to vector<512x128xf32>
    %add3A_174 = arith.addf %dot_general3A_172, %add3A_173 : vector<512x128xf32>
    %max3A_175 = arith.constant 0.000000e+00 : f32
    %max3A_176 = vector.broadcast %max3A_175 : f32 to vector<512x128xf32>
    %max3A_177 = arith.maximumf %add3A_174, %max3A_176 : vector<512x128xf32>
    %convert_element_type3A_178 = arith.truncf %max3A_177 : vector<512x128xf32> to vector<512x128xbf16>
    %swap3A_179 = arith.constant 4096 : index
    %swap3A_180 = arith.constant 0 : index
    %swap3A_181 = vector.load %arg7[%swap3A_179, %swap3A_180] : memref<16384x128xbf16, #tpu.memory_space<vmem>>, vector<512x128xbf16>
    tpu.vector_store %arg7[%swap3A_179, %swap3A_180], %convert_element_type3A_178 {strides = array<i32>} : memref<16384x128xbf16, #tpu.memory_space<vmem>>, vector<512x128xbf16>,
    %mul3A_182 = arith.constant 32 : i32
    %mul3A_183 = arith.muli %arg0, %mul3A_182 : i32
    %add3A_184 = arith.constant 9 : i32
    %add3A_185 = arith.addi %mul3A_183, %add3A_184 : i32
    %mul3A_186 = arith.constant 128 : i32
    %mul3A_187 = arith.muli %add3A_185, %mul3A_186 : i32
    %get3A_188 = arith.constant 0 : index
    %get3A_189 = arith.index_cast %mul3A_187 : i32 to index
    %get3A_190 = vector.load %arg9[%get3A_188, %get3A_189] : memref<512x4096xf32, #tpu.memory_space<vmem>>, vector<512x128xf32>
    %dot_general3A_191 = arith.constant dense<0.000000e+00> : vector<512x128xf32>
    %dot_general3A_192 = tpu.matmul %get3A_190, %get3A_3, %dot_general3A_191 {dimension_numbers = #tpu.dot_dimension_numbers<[1], [0], [0], [1], [0, 0, 1, 1], [], []>, transpose_lhs_hint = false} : vector<512x128xf32>, vector<128x128xf32>, vector<512x128xf32> -> vector<512x128xf32>
    %add3A_193 = vector.broadcast %get3A_6 : vector<1x128xf32> to vector<512x128xf32>
    %add3A_194 = arith.addf %dot_general3A_192, %add3A_193 : vector<512x128xf32>
    %max3A_195 = arith.constant 0.000000e+00 : f32
    %max3A_196 = vector.broadcast %max3A_195 : f32 to vector<512x128xf32>
    %max3A_197 = arith.maximumf %add3A_194, %max3A_196 : vector<512x128xf32>
    %convert_element_type3A_198 = arith.truncf %max3A_197 : vector<512x128xf32> to vector<512x128xbf16>
    %swap3A_199 = arith.constant 4608 : index
    %swap3A_200 = arith.constant 0 : index
    %swap3A_201 = vector.load %arg7[%swap3A_199, %swap3A_200] : memref<16384x128xbf16, #tpu.memory_space<vmem>>, vector<512x128xbf16>
    tpu.vector_store %arg7[%swap3A_199, %swap3A_200], %convert_element_type3A_198 {strides = array<i32>} : memref<16384x128xbf16, #tpu.memory_space<vmem>>, vector<512x128xbf16>,
    %mul3A_202 = arith.constant 32 : i32
    %mul3A_203 = arith.muli %arg0, %mul3A_202 : i32
    %add3A_204 = arith.constant 10 : i32
    %add3A_205 = arith.addi %mul3A_203, %add3A_204 : i32
    %mul3A_206 = arith.constant 128 : i32
    %mul3A_207 = arith.muli %add3A_205, %mul3A_206 : i32
    %get3A_208 = arith.constant 0 : index
    %get3A_209 = arith.index_cast %mul3A_207 : i32 to index
    %get3A_210 = vector.load %arg9[%get3A_208, %get3A_209] : memref<512x4096xf32, #tpu.memory_space<vmem>>, vector<512x128xf32>
    %dot_general3A_211 = arith.constant dense<0.000000e+00> : vector<512x128xf32>
    %dot_general3A_212 = tpu.matmul %get3A_210, %get3A_3, %dot_general3A_211 {dimension_numbers = #tpu.dot_dimension_numbers<[1], [0], [0], [1], [0, 0, 1, 1], [], []>, transpose_lhs_hint = false} : vector<512x128xf32>, vector<128x128xf32>, vector<512x128xf32> -> vector<512x128xf32>
    %add3A_213 = vector.broadcast %get3A_6 : vector<1x128xf32> to vector<512x128xf32>
    %add3A_214 = arith.addf %dot_general3A_212, %add3A_213 : vector<512x128xf32>
    %max3A_215 = arith.constant 0.000000e+00 : f32
    %max3A_216 = vector.broadcast %max3A_215 : f32 to vector<512x128xf32>
    %max3A_217 = arith.maximumf %add3A_214, %max3A_216 : vector<512x128xf32>
    %convert_element_type3A_218 = arith.truncf %max3A_217 : vector<512x128xf32> to vector<512x128xbf16>
    %swap3A_219 = arith.constant 5120 : index
    %swap3A_220 = arith.constant 0 : index
    %swap3A_221 = vector.load %arg7[%swap3A_219, %swap3A_220] : memref<16384x128xbf16, #tpu.memory_space<vmem>>, vector<512x128xbf16>
    tpu.vector_store %arg7[%swap3A_219, %swap3A_220], %convert_element_type3A_218 {strides = array<i32>} : memref<16384x128xbf16, #tpu.memory_space<vmem>>, vector<512x128xbf16>,
    %mul3A_222 = arith.constant 32 : i32
    %mul3A_223 = arith.muli %arg0, %mul3A_222 : i32
    %add3A_224 = arith.constant 11 : i32
    %add3A_225 = arith.addi %mul3A_223, %add3A_224 : i32
    %mul3A_226 = arith.constant 128 : i32
    %mul3A_227 = arith.muli %add3A_225, %mul3A_226 : i32
    %get3A_228 = arith.constant 0 : index
    %get3A_229 = arith.index_cast %mul3A_227 : i32 to index
    %get3A_230 = vector.load %arg9[%get3A_228, %get3A_229] : memref<512x4096xf32, #tpu.memory_space<vmem>>, vector<512x128xf32>
    %dot_general3A_231 = arith.constant dense<0.000000e+00> : vector<512x128xf32>
    %dot_general3A_232 = tpu.matmul %get3A_230, %get3A_3, %dot_general3A_231 {dimension_numbers = #tpu.dot_dimension_numbers<[1], [0], [0], [1], [0, 0, 1, 1], [], []>, transpose_lhs_hint = false} : vector<512x128xf32>, vector<128x128xf32>, vector<512x128xf32> -> vector<512x128xf32>
    %add3A_233 = vector.broadcast %get3A_6 : vector<1x128xf32> to vector<512x128xf32>
    %add3A_234 = arith.addf %dot_general3A_232, %add3A_233 : vector<512x128xf32>
    %max3A_235 = arith.constant 0.000000e+00 : f32
    %max3A_236 = vector.broadcast %max3A_235 : f32 to vector<512x128xf32>
    %max3A_237 = arith.maximumf %add3A_234, %max3A_236 : vector<512x128xf32>
    %convert_element_type3A_238 = arith.truncf %max3A_237 : vector<512x128xf32> to vector<512x128xbf16>
    %swap3A_239 = arith.constant 5632 : index
    %swap3A_240 = arith.constant 0 : index
    %swap3A_241 = vector.load %arg7[%swap3A_239, %swap3A_240] : memref<16384x128xbf16, #tpu.memory_space<vmem>>, vector<512x128xbf16>
    tpu.vector_store %arg7[%swap3A_239, %swap3A_240], %convert_element_type3A_238 {strides = array<i32>} : memref<16384x128xbf16, #tpu.memory_space<vmem>>, vector<512x128xbf16>,
    %mul3A_242 = arith.constant 32 : i32
    %mul3A_243 = arith.muli %arg0, %mul3A_242 : i32
    %add3A_244 = arith.constant 12 : i32
    %add3A_245 = arith.addi %mul3A_243, %add3A_244 : i32
    %mul3A_246 = arith.constant 128 : i32
    %mul3A_247 = arith.muli %add3A_245, %mul3A_246 : i32
    %get3A_248 = arith.constant 0 : index
    %get3A_249 = arith.index_cast %mul3A_247 : i32 to index
    %get3A_250 = vector.load %arg9[%get3A_248, %get3A_249] : memref<512x4096xf32, #tpu.memory_space<vmem>>, vector<512x128xf32>
    %dot_general3A_251 = arith.constant dense<0.000000e+00> : vector<512x128xf32>
    %dot_general3A_252 = tpu.matmul %get3A_250, %get3A_3, %dot_general3A_251 {dimension_numbers = #tpu.dot_dimension_numbers<[1], [0], [0], [1], [0, 0, 1, 1], [], []>, transpose_lhs_hint = false} : vector<512x128xf32>, vector<128x128xf32>, vector<512x128xf32> -> vector<512x128xf32>
    %add3A_253 = vector.broadcast %get3A_6 : vector<1x128xf32> to vector<512x128xf32>
    %add3A_254 = arith.addf %dot_general3A_252, %add3A_253 : vector<512x128xf32>
    %max3A_255 = arith.constant 0.000000e+00 : f32
    %max3A_256 = vector.broadcast %max3A_255 : f32 to vector<512x128xf32>
    %max3A_257 = arith.maximumf %add3A_254, %max3A_256 : vector<512x128xf32>
    %convert_element_type3A_258 = arith.truncf %max3A_257 : vector<512x128xf32> to vector<512x128xbf16>
    %swap3A_259 = arith.constant 6144 : index
    %swap3A_260 = arith.constant 0 : index
    %swap3A_261 = vector.load %arg7[%swap3A_259, %swap3A_260] : memref<16384x128xbf16, #tpu.memory_space<vmem>>, vector<512x128xbf16>
    tpu.vector_store %arg7[%swap3A_259, %swap3A_260], %convert_element_type3A_258 {strides = array<i32>} : memref<16384x128xbf16, #tpu.memory_space<vmem>>, vector<512x128xbf16>,
    %mul3A_262 = arith.constant 32 : i32
    %mul3A_263 = arith.muli %arg0, %mul3A_262 : i32
    %add3A_264 = arith.constant 13 : i32
    %add3A_265 = arith.addi %mul3A_263, %add3A_264 : i32
    %mul3A_266 = arith.constant 128 : i32
    %mul3A_267 = arith.muli %add3A_265, %mul3A_266 : i32
    %get3A_268 = arith.constant 0 : index
    %get3A_269 = arith.index_cast %mul3A_267 : i32 to index
    %get3A_270 = vector.load %arg9[%get3A_268, %get3A_269] : memref<512x4096xf32, #tpu.memory_space<vmem>>, vector<512x128xf32>
    %dot_general3A_271 = arith.constant dense<0.000000e+00> : vector<512x128xf32>
    %dot_general3A_272 = tpu.matmul %get3A_270, %get3A_3, %dot_general3A_271 {dimension_numbers = #tpu.dot_dimension_numbers<[1], [0], [0], [1], [0, 0, 1, 1], [], []>, transpose_lhs_hint = false} : vector<512x128xf32>, vector<128x128xf32>, vector<512x128xf32> -> vector<512x128xf32>
    %add3A_273 = vector.broadcast %get3A_6 : vector<1x128xf32> to vector<512x128xf32>
    %add3A_274 = arith.addf %dot_general3A_272, %add3A_273 : vector<512x128xf32>
    %max3A_275 = arith.constant 0.000000e+00 : f32
    %max3A_276 = vector.broadcast %max3A_275 : f32 to vector<512x128xf32>
    %max3A_277 = arith.maximumf %add3A_274, %max3A_276 : vector<512x128xf32>
    %convert_element_type3A_278 = arith.truncf %max3A_277 : vector<512x128xf32> to vector<512x128xbf16>
    %swap3A_279 = arith.constant 6656 : index
    %swap3A_280 = arith.constant 0 : index
    %swap3A_281 = vector.load %arg7[%swap3A_279, %swap3A_280] : memref<16384x128xbf16, #tpu.memory_space<vmem>>, vector<512x128xbf16>
    tpu.vector_store %arg7[%swap3A_279, %swap3A_280], %convert_element_type3A_278 {strides = array<i32>} : memref<16384x128xbf16, #tpu.memory_space<vmem>>, vector<512x128xbf16>,
    %mul3A_282 = arith.constant 32 : i32
    %mul3A_283 = arith.muli %arg0, %mul3A_282 : i32
    %add3A_284 = arith.constant 14 : i32
    %add3A_285 = arith.addi %mul3A_283, %add3A_284 : i32
    %mul3A_286 = arith.constant 128 : i32
    %mul3A_287 = arith.muli %add3A_285, %mul3A_286 : i32
    %get3A_288 = arith.constant 0 : index
    %get3A_289 = arith.index_cast %mul3A_287 : i32 to index
    %get3A_290 = vector.load %arg9[%get3A_288, %get3A_289] : memref<512x4096xf32, #tpu.memory_space<vmem>>, vector<512x128xf32>
    %dot_general3A_291 = arith.constant dense<0.000000e+00> : vector<512x128xf32>
    %dot_general3A_292 = tpu.matmul %get3A_290, %get3A_3, %dot_general3A_291 {dimension_numbers = #tpu.dot_dimension_numbers<[1], [0], [0], [1], [0, 0, 1, 1], [], []>, transpose_lhs_hint = false} : vector<512x128xf32>, vector<128x128xf32>, vector<512x128xf32> -> vector<512x128xf32>
    %add3A_293 = vector.broadcast %get3A_6 : vector<1x128xf32> to vector<512x128xf32>
    %add3A_294 = arith.addf %dot_general3A_292, %add3A_293 : vector<512x128xf32>
    %max3A_295 = arith.constant 0.000000e+00 : f32
    %max3A_296 = vector.broadcast %max3A_295 : f32 to vector<512x128xf32>
    %max3A_297 = arith.maximumf %add3A_294, %max3A_296 : vector<512x128xf32>
    %convert_element_type3A_298 = arith.truncf %max3A_297 : vector<512x128xf32> to vector<512x128xbf16>
    %swap3A_299 = arith.constant 7168 : index
    %swap3A_300 = arith.constant 0 : index
    %swap3A_301 = vector.load %arg7[%swap3A_299, %swap3A_300] : memref<16384x128xbf16, #tpu.memory_space<vmem>>, vector<512x128xbf16>
    tpu.vector_store %arg7[%swap3A_299, %swap3A_300], %convert_element_type3A_298 {strides = array<i32>} : memref<16384x128xbf16, #tpu.memory_space<vmem>>, vector<512x128xbf16>,
    %mul3A_302 = arith.constant 32 : i32
    %mul3A_303 = arith.muli %arg0, %mul3A_302 : i32
    %add3A_304 = arith.constant 15 : i32
    %add3A_305 = arith.addi %mul3A_303, %add3A_304 : i32
    %mul3A_306 = arith.constant 128 : i32
    %mul3A_307 = arith.muli %add3A_305, %mul3A_306 : i32
    %get3A_308 = arith.constant 0 : index
    %get3A_309 = arith.index_cast %mul3A_307 : i32 to index
    %get3A_310 = vector.load %arg9[%get3A_308, %get3A_309] : memref<512x4096xf32, #tpu.memory_space<vmem>>, vector<512x128xf32>
    %dot_general3A_311 = arith.constant dense<0.000000e+00> : vector<512x128xf32>
    %dot_general3A_312 = tpu.matmul %get3A_310, %get3A_3, %dot_general3A_311 {dimension_numbers = #tpu.dot_dimension_numbers<[1], [0], [0], [1], [0, 0, 1, 1], [], []>, transpose_lhs_hint = false} : vector<512x128xf32>, vector<128x128xf32>, vector<512x128xf32> -> vector<512x128xf32>
    %add3A_313 = vector.broadcast %get3A_6 : vector<1x128xf32> to vector<512x128xf32>
    %add3A_314 = arith.addf %dot_general3A_312, %add3A_313 : vector<512x128xf32>
    %max3A_315 = arith.constant 0.000000e+00 : f32
    %max3A_316 = vector.broadcast %max3A_315 : f32 to vector<512x128xf32>
    %max3A_317 = arith.maximumf %add3A_314, %max3A_316 : vector<512x128xf32>
    %convert_element_type3A_318 = arith.truncf %max3A_317 : vector<512x128xf32> to vector<512x128xbf16>
    %swap3A_319 = arith.constant 7680 : index
    %swap3A_320 = arith.constant 0 : index
    %swap3A_321 = vector.load %arg7[%swap3A_319, %swap3A_320] : memref<16384x128xbf16, #tpu.memory_space<vmem>>, vector<512x128xbf16>
    tpu.vector_store %arg7[%swap3A_319, %swap3A_320], %convert_element_type3A_318 {strides = array<i32>} : memref<16384x128xbf16, #tpu.memory_space<vmem>>, vector<512x128xbf16>,
    %mul3A_322 = arith.constant 32 : i32
    %mul3A_323 = arith.muli %arg0, %mul3A_322 : i32
    %add3A_324 = arith.constant 16 : i32
    %add3A_325 = arith.addi %mul3A_323, %add3A_324 : i32
    %mul3A_326 = arith.constant 128 : i32
    %mul3A_327 = arith.muli %add3A_325, %mul3A_326 : i32
    %get3A_328 = arith.constant 0 : index
    %get3A_329 = arith.index_cast %mul3A_327 : i32 to index
    %get3A_330 = vector.load %arg9[%get3A_328, %get3A_329] : memref<512x4096xf32, #tpu.memory_space<vmem>>, vector<512x128xf32>
    %dot_general3A_331 = arith.constant dense<0.000000e+00> : vector<512x128xf32>
    %dot_general3A_332 = tpu.matmul %get3A_330, %get3A_3, %dot_general3A_331 {dimension_numbers = #tpu.dot_dimension_numbers<[1], [0], [0], [1], [0, 0, 1, 1], [], []>, transpose_lhs_hint = false} : vector<512x128xf32>, vector<128x128xf32>, vector<512x128xf32> -> vector<512x128xf32>
    %add3A_333 = vector.broadcast %get3A_6 : vector<1x128xf32> to vector<512x128xf32>
    %add3A_334 = arith.addf %dot_general3A_332, %add3A_333 : vector<512x128xf32>
    %max3A_335 = arith.constant 0.000000e+00 : f32
    %max3A_336 = vector.broadcast %max3A_335 : f32 to vector<512x128xf32>
    %max3A_337 = arith.maximumf %add3A_334, %max3A_336 : vector<512x128xf32>
    %convert_element_type3A_338 = arith.truncf %max3A_337 : vector<512x128xf32> to vector<512x128xbf16>
    %swap3A_339 = arith.constant 8192 : index
    %swap3A_340 = arith.constant 0 : index
    %swap3A_341 = vector.load %arg7[%swap3A_339, %swap3A_340] : memref<16384x128xbf16, #tpu.memory_space<vmem>>, vector<512x128xbf16>
    tpu.vector_store %arg7[%swap3A_339, %swap3A_340], %convert_element_type3A_338 {strides = array<i32>} : memref<16384x128xbf16, #tpu.memory_space<vmem>>, vector<512x128xbf16>,
    %mul3A_342 = arith.constant 32 : i32
    %mul3A_343 = arith.muli %arg0, %mul3A_342 : i32
    %add3A_344 = arith.constant 17 : i32
    %add3A_345 = arith.addi %mul3A_343, %add3A_344 : i32
    %mul3A_346 = arith.constant 128 : i32
    %mul3A_347 = arith.muli %add3A_345, %mul3A_346 : i32
    %get3A_348 = arith.constant 0 : index
    %get3A_349 = arith.index_cast %mul3A_347 : i32 to index
    %get3A_350 = vector.load %arg9[%get3A_348, %get3A_349] : memref<512x4096xf32, #tpu.memory_space<vmem>>, vector<512x128xf32>
    %dot_general3A_351 = arith.constant dense<0.000000e+00> : vector<512x128xf32>
    %dot_general3A_352 = tpu.matmul %get3A_350, %get3A_3, %dot_general3A_351 {dimension_numbers = #tpu.dot_dimension_numbers<[1], [0], [0], [1], [0, 0, 1, 1], [], []>, transpose_lhs_hint = false} : vector<512x128xf32>, vector<128x128xf32>, vector<512x128xf32> -> vector<512x128xf32>
    %add3A_353 = vector.broadcast %get3A_6 : vector<1x128xf32> to vector<512x128xf32>
    %add3A_354 = arith.addf %dot_general3A_352, %add3A_353 : vector<512x128xf32>
    %max3A_355 = arith.constant 0.000000e+00 : f32
    %max3A_356 = vector.broadcast %max3A_355 : f32 to vector<512x128xf32>
    %max3A_357 = arith.maximumf %add3A_354, %max3A_356 : vector<512x128xf32>
    %convert_element_type3A_358 = arith.truncf %max3A_357 : vector<512x128xf32> to vector<512x128xbf16>
    %swap3A_359 = arith.constant 8704 : index
    %swap3A_360 = arith.constant 0 : index
    %swap3A_361 = vector.load %arg7[%swap3A_359, %swap3A_360] : memref<16384x128xbf16, #tpu.memory_space<vmem>>, vector<512x128xbf16>
    tpu.vector_store %arg7[%swap3A_359, %swap3A_360], %convert_element_type3A_358 {strides = array<i32>} : memref<16384x128xbf16, #tpu.memory_space<vmem>>, vector<512x128xbf16>,
    %mul3A_362 = arith.constant 32 : i32
    %mul3A_363 = arith.muli %arg0, %mul3A_362 : i32
    %add3A_364 = arith.constant 18 : i32
    %add3A_365 = arith.addi %mul3A_363, %add3A_364 : i32
    %mul3A_366 = arith.constant 128 : i32
    %mul3A_367 = arith.muli %add3A_365, %mul3A_366 : i32
    %get3A_368 = arith.constant 0 : index
    %get3A_369 = arith.index_cast %mul3A_367 : i32 to index
    %get3A_370 = vector.load %arg9[%get3A_368, %get3A_369] : memref<512x4096xf32, #tpu.memory_space<vmem>>, vector<512x128xf32>
    %dot_general3A_371 = arith.constant dense<0.000000e+00> : vector<512x128xf32>
    %dot_general3A_372 = tpu.matmul %get3A_370, %get3A_3, %dot_general3A_371 {dimension_numbers = #tpu.dot_dimension_numbers<[1], [0], [0], [1], [0, 0, 1, 1], [], []>, transpose_lhs_hint = false} : vector<512x128xf32>, vector<128x128xf32>, vector<512x128xf32> -> vector<512x128xf32>
    %add3A_373 = vector.broadcast %get3A_6 : vector<1x128xf32> to vector<512x128xf32>
    %add3A_374 = arith.addf %dot_general3A_372, %add3A_373 : vector<512x128xf32>
    %max3A_375 = arith.constant 0.000000e+00 : f32
    %max3A_376 = vector.broadcast %max3A_375 : f32 to vector<512x128xf32>
    %max3A_377 = arith.maximumf %add3A_374, %max3A_376 : vector<512x128xf32>
    %convert_element_type3A_378 = arith.truncf %max3A_377 : vector<512x128xf32> to vector<512x128xbf16>
    %swap3A_379 = arith.constant 9216 : index
    %swap3A_380 = arith.constant 0 : index
    %swap3A_381 = vector.load %arg7[%swap3A_379, %swap3A_380] : memref<16384x128xbf16, #tpu.memory_space<vmem>>, vector<512x128xbf16>
    tpu.vector_store %arg7[%swap3A_379, %swap3A_380], %convert_element_type3A_378 {strides = array<i32>} : memref<16384x128xbf16, #tpu.memory_space<vmem>>, vector<512x128xbf16>,
    %mul3A_382 = arith.constant 32 : i32
    %mul3A_383 = arith.muli %arg0, %mul3A_382 : i32
    %add3A_384 = arith.constant 19 : i32
    %add3A_385 = arith.addi %mul3A_383, %add3A_384 : i32
    %mul3A_386 = arith.constant 128 : i32
    %mul3A_387 = arith.muli %add3A_385, %mul3A_386 : i32
    %get3A_388 = arith.constant 0 : index
    %get3A_389 = arith.index_cast %mul3A_387 : i32 to index
    %get3A_390 = vector.load %arg9[%get3A_388, %get3A_389] : memref<512x4096xf32, #tpu.memory_space<vmem>>, vector<512x128xf32>
    %dot_general3A_391 = arith.constant dense<0.000000e+00> : vector<512x128xf32>
    %dot_general3A_392 = tpu.matmul %get3A_390, %get3A_3, %dot_general3A_391 {dimension_numbers = #tpu.dot_dimension_numbers<[1], [0], [0], [1], [0, 0, 1, 1], [], []>, transpose_lhs_hint = false} : vector<512x128xf32>, vector<128x128xf32>, vector<512x128xf32> -> vector<512x128xf32>
    %add3A_393 = vector.broadcast %get3A_6 : vector<1x128xf32> to vector<512x128xf32>
    %add3A_394 = arith.addf %dot_general3A_392, %add3A_393 : vector<512x128xf32>
    %max3A_395 = arith.constant 0.000000e+00 : f32
    %max3A_396 = vector.broadcast %max3A_395 : f32 to vector<512x128xf32>
    %max3A_397 = arith.maximumf %add3A_394, %max3A_396 : vector<512x128xf32>
    %convert_element_type3A_398 = arith.truncf %max3A_397 : vector<512x128xf32> to vector<512x128xbf16>
    %swap3A_399 = arith.constant 9728 : index
    %swap3A_400 = arith.constant 0 : index
    %swap3A_401 = vector.load %arg7[%swap3A_399, %swap3A_400] : memref<16384x128xbf16, #tpu.memory_space<vmem>>, vector<512x128xbf16>
    tpu.vector_store %arg7[%swap3A_399, %swap3A_400], %convert_element_type3A_398 {strides = array<i32>} : memref<16384x128xbf16, #tpu.memory_space<vmem>>, vector<512x128xbf16>,
    %mul3A_402 = arith.constant 32 : i32
    %mul3A_403 = arith.muli %arg0, %mul3A_402 : i32
    %add3A_404 = arith.constant 20 : i32
    %add3A_405 = arith.addi %mul3A_403, %add3A_404 : i32
    %mul3A_406 = arith.constant 128 : i32
    %mul3A_407 = arith.muli %add3A_405, %mul3A_406 : i32
    %get3A_408 = arith.constant 0 : index
    %get3A_409 = arith.index_cast %mul3A_407 : i32 to index
    %get3A_410 = vector.load %arg9[%get3A_408, %get3A_409] : memref<512x4096xf32, #tpu.memory_space<vmem>>, vector<512x128xf32>
    %dot_general3A_411 = arith.constant dense<0.000000e+00> : vector<512x128xf32>
    %dot_general3A_412 = tpu.matmul %get3A_410, %get3A_3, %dot_general3A_411 {dimension_numbers = #tpu.dot_dimension_numbers<[1], [0], [0], [1], [0, 0, 1, 1], [], []>, transpose_lhs_hint = false} : vector<512x128xf32>, vector<128x128xf32>, vector<512x128xf32> -> vector<512x128xf32>
    %add3A_413 = vector.broadcast %get3A_6 : vector<1x128xf32> to vector<512x128xf32>
    %add3A_414 = arith.addf %dot_general3A_412, %add3A_413 : vector<512x128xf32>
    %max3A_415 = arith.constant 0.000000e+00 : f32
    %max3A_416 = vector.broadcast %max3A_415 : f32 to vector<512x128xf32>
    %max3A_417 = arith.maximumf %add3A_414, %max3A_416 : vector<512x128xf32>
    %convert_element_type3A_418 = arith.truncf %max3A_417 : vector<512x128xf32> to vector<512x128xbf16>
    %swap3A_419 = arith.constant 10240 : index
    %swap3A_420 = arith.constant 0 : index
    %swap3A_421 = vector.load %arg7[%swap3A_419, %swap3A_420] : memref<16384x128xbf16, #tpu.memory_space<vmem>>, vector<512x128xbf16>
    tpu.vector_store %arg7[%swap3A_419, %swap3A_420], %convert_element_type3A_418 {strides = array<i32>} : memref<16384x128xbf16, #tpu.memory_space<vmem>>, vector<512x128xbf16>,
    %mul3A_422 = arith.constant 32 : i32
    %mul3A_423 = arith.muli %arg0, %mul3A_422 : i32
    %add3A_424 = arith.constant 21 : i32
    %add3A_425 = arith.addi %mul3A_423, %add3A_424 : i32
    %mul3A_426 = arith.constant 128 : i32
    %mul3A_427 = arith.muli %add3A_425, %mul3A_426 : i32
    %get3A_428 = arith.constant 0 : index
    %get3A_429 = arith.index_cast %mul3A_427 : i32 to index
    %get3A_430 = vector.load %arg9[%get3A_428, %get3A_429] : memref<512x4096xf32, #tpu.memory_space<vmem>>, vector<512x128xf32>
    %dot_general3A_431 = arith.constant dense<0.000000e+00> : vector<512x128xf32>
    %dot_general3A_432 = tpu.matmul %get3A_430, %get3A_3, %dot_general3A_431 {dimension_numbers = #tpu.dot_dimension_numbers<[1], [0], [0], [1], [0, 0, 1, 1], [], []>, transpose_lhs_hint = false} : vector<512x128xf32>, vector<128x128xf32>, vector<512x128xf32> -> vector<512x128xf32>
    %add3A_433 = vector.broadcast %get3A_6 : vector<1x128xf32> to vector<512x128xf32>
    %add3A_434 = arith.addf %dot_general3A_432, %add3A_433 : vector<512x128xf32>
    %max3A_435 = arith.constant 0.000000e+00 : f32
    %max3A_436 = vector.broadcast %max3A_435 : f32 to vector<512x128xf32>
    %max3A_437 = arith.maximumf %add3A_434, %max3A_436 : vector<512x128xf32>
    %convert_element_type3A_438 = arith.truncf %max3A_437 : vector<512x128xf32> to vector<512x128xbf16>
    %swap3A_439 = arith.constant 10752 : index
    %swap3A_440 = arith.constant 0 : index
    %swap3A_441 = vector.load %arg7[%swap3A_439, %swap3A_440] : memref<16384x128xbf16, #tpu.memory_space<vmem>>, vector<512x128xbf16>
    tpu.vector_store %arg7[%swap3A_439, %swap3A_440], %convert_element_type3A_438 {strides = array<i32>} : memref<16384x128xbf16, #tpu.memory_space<vmem>>, vector<512x128xbf16>,
    %mul3A_442 = arith.constant 32 : i32
    %mul3A_443 = arith.muli %arg0, %mul3A_442 : i32
    %add3A_444 = arith.constant 22 : i32
    %add3A_445 = arith.addi %mul3A_443, %add3A_444 : i32
    %mul3A_446 = arith.constant 128 : i32
    %mul3A_447 = arith.muli %add3A_445, %mul3A_446 : i32
    %get3A_448 = arith.constant 0 : index
    %get3A_449 = arith.index_cast %mul3A_447 : i32 to index
    %get3A_450 = vector.load %arg9[%get3A_448, %get3A_449] : memref<512x4096xf32, #tpu.memory_space<vmem>>, vector<512x128xf32>
    %dot_general3A_451 = arith.constant dense<0.000000e+00> : vector<512x128xf32>
    %dot_general3A_452 = tpu.matmul %get3A_450, %get3A_3, %dot_general3A_451 {dimension_numbers = #tpu.dot_dimension_numbers<[1], [0], [0], [1], [0, 0, 1, 1], [], []>, transpose_lhs_hint = false} : vector<512x128xf32>, vector<128x128xf32>, vector<512x128xf32> -> vector<512x128xf32>
    %add3A_453 = vector.broadcast %get3A_6 : vector<1x128xf32> to vector<512x128xf32>
    %add3A_454 = arith.addf %dot_general3A_452, %add3A_453 : vector<512x128xf32>
    %max3A_455 = arith.constant 0.000000e+00 : f32
    %max3A_456 = vector.broadcast %max3A_455 : f32 to vector<512x128xf32>
    %max3A_457 = arith.maximumf %add3A_454, %max3A_456 : vector<512x128xf32>
    %convert_element_type3A_458 = arith.truncf %max3A_457 : vector<512x128xf32> to vector<512x128xbf16>
    %swap3A_459 = arith.constant 11264 : index
    %swap3A_460 = arith.constant 0 : index
    %swap3A_461 = vector.load %arg7[%swap3A_459, %swap3A_460] : memref<16384x128xbf16, #tpu.memory_space<vmem>>, vector<512x128xbf16>
    tpu.vector_store %arg7[%swap3A_459, %swap3A_460], %convert_element_type3A_458 {strides = array<i32>} : memref<16384x128xbf16, #tpu.memory_space<vmem>>, vector<512x128xbf16>,
    %mul3A_462 = arith.constant 32 : i32
    %mul3A_463 = arith.muli %arg0, %mul3A_462 : i32
    %add3A_464 = arith.constant 23 : i32
    %add3A_465 = arith.addi %mul3A_463, %add3A_464 : i32
    %mul3A_466 = arith.constant 128 : i32
    %mul3A_467 = arith.muli %add3A_465, %mul3A_466 : i32
    %get3A_468 = arith.constant 0 : index
    %get3A_469 = arith.index_cast %mul3A_467 : i32 to index
    %get3A_470 = vector.load %arg9[%get3A_468, %get3A_469] : memref<512x4096xf32, #tpu.memory_space<vmem>>, vector<512x128xf32>
    %dot_general3A_471 = arith.constant dense<0.000000e+00> : vector<512x128xf32>
    %dot_general3A_472 = tpu.matmul %get3A_470, %get3A_3, %dot_general3A_471 {dimension_numbers = #tpu.dot_dimension_numbers<[1], [0], [0], [1], [0, 0, 1, 1], [], []>, transpose_lhs_hint = false} : vector<512x128xf32>, vector<128x128xf32>, vector<512x128xf32> -> vector<512x128xf32>
    %add3A_473 = vector.broadcast %get3A_6 : vector<1x128xf32> to vector<512x128xf32>
    %add3A_474 = arith.addf %dot_general3A_472, %add3A_473 : vector<512x128xf32>
    %max3A_475 = arith.constant 0.000000e+00 : f32
    %max3A_476 = vector.broadcast %max3A_475 : f32 to vector<512x128xf32>
    %max3A_477 = arith.maximumf %add3A_474, %max3A_476 : vector<512x128xf32>
    %convert_element_type3A_478 = arith.truncf %max3A_477 : vector<512x128xf32> to vector<512x128xbf16>
    %swap3A_479 = arith.constant 11776 : index
    %swap3A_480 = arith.constant 0 : index
    %swap3A_481 = vector.load %arg7[%swap3A_479, %swap3A_480] : memref<16384x128xbf16, #tpu.memory_space<vmem>>, vector<512x128xbf16>
    tpu.vector_store %arg7[%swap3A_479, %swap3A_480], %convert_element_type3A_478 {strides = array<i32>} : memref<16384x128xbf16, #tpu.memory_space<vmem>>, vector<512x128xbf16>,
    %mul3A_482 = arith.constant 32 : i32
    %mul3A_483 = arith.muli %arg0, %mul3A_482 : i32
    %add3A_484 = arith.constant 24 : i32
    %add3A_485 = arith.addi %mul3A_483, %add3A_484 : i32
    %mul3A_486 = arith.constant 128 : i32
    %mul3A_487 = arith.muli %add3A_485, %mul3A_486 : i32
    %get3A_488 = arith.constant 0 : index
    %get3A_489 = arith.index_cast %mul3A_487 : i32 to index
    %get3A_490 = vector.load %arg9[%get3A_488, %get3A_489] : memref<512x4096xf32, #tpu.memory_space<vmem>>, vector<512x128xf32>
    %dot_general3A_491 = arith.constant dense<0.000000e+00> : vector<512x128xf32>
    %dot_general3A_492 = tpu.matmul %get3A_490, %get3A_3, %dot_general3A_491 {dimension_numbers = #tpu.dot_dimension_numbers<[1], [0], [0], [1], [0, 0, 1, 1], [], []>, transpose_lhs_hint = false} : vector<512x128xf32>, vector<128x128xf32>, vector<512x128xf32> -> vector<512x128xf32>
    %add3A_493 = vector.broadcast %get3A_6 : vector<1x128xf32> to vector<512x128xf32>
    %add3A_494 = arith.addf %dot_general3A_492, %add3A_493 : vector<512x128xf32>
    %max3A_495 = arith.constant 0.000000e+00 : f32
    %max3A_496 = vector.broadcast %max3A_495 : f32 to vector<512x128xf32>
    %max3A_497 = arith.maximumf %add3A_494, %max3A_496 : vector<512x128xf32>
    %convert_element_type3A_498 = arith.truncf %max3A_497 : vector<512x128xf32> to vector<512x128xbf16>
    %swap3A_499 = arith.constant 12288 : index
    %swap3A_500 = arith.constant 0 : index
    %swap3A_501 = vector.load %arg7[%swap3A_499, %swap3A_500] : memref<16384x128xbf16, #tpu.memory_space<vmem>>, vector<512x128xbf16>
    tpu.vector_store %arg7[%swap3A_499, %swap3A_500], %convert_element_type3A_498 {strides = array<i32>} : memref<16384x128xbf16, #tpu.memory_space<vmem>>, vector<512x128xbf16>,
    %mul3A_502 = arith.constant 32 : i32
    %mul3A_503 = arith.muli %arg0, %mul3A_502 : i32
    %add3A_504 = arith.constant 25 : i32
    %add3A_505 = arith.addi %mul3A_503, %add3A_504 : i32
    %mul3A_506 = arith.constant 128 : i32
    %mul3A_507 = arith.muli %add3A_505, %mul3A_506 : i32
    %get3A_508 = arith.constant 0 : index
    %get3A_509 = arith.index_cast %mul3A_507 : i32 to index
    %get3A_510 = vector.load %arg9[%get3A_508, %get3A_509] : memref<512x4096xf32, #tpu.memory_space<vmem>>, vector<512x128xf32>
    %dot_general3A_511 = arith.constant dense<0.000000e+00> : vector<512x128xf32>
    %dot_general3A_512 = tpu.matmul %get3A_510, %get3A_3, %dot_general3A_511 {dimension_numbers = #tpu.dot_dimension_numbers<[1], [0], [0], [1], [0, 0, 1, 1], [], []>, transpose_lhs_hint = false} : vector<512x128xf32>, vector<128x128xf32>, vector<512x128xf32> -> vector<512x128xf32>
    %add3A_513 = vector.broadcast %get3A_6 : vector<1x128xf32> to vector<512x128xf32>
    %add3A_514 = arith.addf %dot_general3A_512, %add3A_513 : vector<512x128xf32>
    %max3A_515 = arith.constant 0.000000e+00 : f32
    %max3A_516 = vector.broadcast %max3A_515 : f32 to vector<512x128xf32>
    %max3A_517 = arith.maximumf %add3A_514, %max3A_516 : vector<512x128xf32>
    %convert_element_type3A_518 = arith.truncf %max3A_517 : vector<512x128xf32> to vector<512x128xbf16>
    %swap3A_519 = arith.constant 12800 : index
    %swap3A_520 = arith.constant 0 : index
    %swap3A_521 = vector.load %arg7[%swap3A_519, %swap3A_520] : memref<16384x128xbf16, #tpu.memory_space<vmem>>, vector<512x128xbf16>
    tpu.vector_store %arg7[%swap3A_519, %swap3A_520], %convert_element_type3A_518 {strides = array<i32>} : memref<16384x128xbf16, #tpu.memory_space<vmem>>, vector<512x128xbf16>,
    %mul3A_522 = arith.constant 32 : i32
    %mul3A_523 = arith.muli %arg0, %mul3A_522 : i32
    %add3A_524 = arith.constant 26 : i32
    %add3A_525 = arith.addi %mul3A_523, %add3A_524 : i32
    %mul3A_526 = arith.constant 128 : i32
    %mul3A_527 = arith.muli %add3A_525, %mul3A_526 : i32
    %get3A_528 = arith.constant 0 : index
    %get3A_529 = arith.index_cast %mul3A_527 : i32 to index
    %get3A_530 = vector.load %arg9[%get3A_528, %get3A_529] : memref<512x4096xf32, #tpu.memory_space<vmem>>, vector<512x128xf32>
    %dot_general3A_531 = arith.constant dense<0.000000e+00> : vector<512x128xf32>
    %dot_general3A_532 = tpu.matmul %get3A_530, %get3A_3, %dot_general3A_531 {dimension_numbers = #tpu.dot_dimension_numbers<[1], [0], [0], [1], [0, 0, 1, 1], [], []>, transpose_lhs_hint = false} : vector<512x128xf32>, vector<128x128xf32>, vector<512x128xf32> -> vector<512x128xf32>
    %add3A_533 = vector.broadcast %get3A_6 : vector<1x128xf32> to vector<512x128xf32>
    %add3A_534 = arith.addf %dot_general3A_532, %add3A_533 : vector<512x128xf32>
    %max3A_535 = arith.constant 0.000000e+00 : f32
    %max3A_536 = vector.broadcast %max3A_535 : f32 to vector<512x128xf32>
    %max3A_537 = arith.maximumf %add3A_534, %max3A_536 : vector<512x128xf32>
    %convert_element_type3A_538 = arith.truncf %max3A_537 : vector<512x128xf32> to vector<512x128xbf16>
    %swap3A_539 = arith.constant 13312 : index
    %swap3A_540 = arith.constant 0 : index
    %swap3A_541 = vector.load %arg7[%swap3A_539, %swap3A_540] : memref<16384x128xbf16, #tpu.memory_space<vmem>>, vector<512x128xbf16>
    tpu.vector_store %arg7[%swap3A_539, %swap3A_540], %convert_element_type3A_538 {strides = array<i32>} : memref<16384x128xbf16, #tpu.memory_space<vmem>>, vector<512x128xbf16>,
    %mul3A_542 = arith.constant 32 : i32
    %mul3A_543 = arith.muli %arg0, %mul3A_542 : i32
    %add3A_544 = arith.constant 27 : i32
    %add3A_545 = arith.addi %mul3A_543, %add3A_544 : i32
    %mul3A_546 = arith.constant 128 : i32
    %mul3A_547 = arith.muli %add3A_545, %mul3A_546 : i32
    %get3A_548 = arith.constant 0 : index
    %get3A_549 = arith.index_cast %mul3A_547 : i32 to index
    %get3A_550 = vector.load %arg9[%get3A_548, %get3A_549] : memref<512x4096xf32, #tpu.memory_space<vmem>>, vector<512x128xf32>
    %dot_general3A_551 = arith.constant dense<0.000000e+00> : vector<512x128xf32>
    %dot_general3A_552 = tpu.matmul %get3A_550, %get3A_3, %dot_general3A_551 {dimension_numbers = #tpu.dot_dimension_numbers<[1], [0], [0], [1], [0, 0, 1, 1], [], []>, transpose_lhs_hint = false} : vector<512x128xf32>, vector<128x128xf32>, vector<512x128xf32> -> vector<512x128xf32>
    %add3A_553 = vector.broadcast %get3A_6 : vector<1x128xf32> to vector<512x128xf32>
    %add3A_554 = arith.addf %dot_general3A_552, %add3A_553 : vector<512x128xf32>
    %max3A_555 = arith.constant 0.000000e+00 : f32
    %max3A_556 = vector.broadcast %max3A_555 : f32 to vector<512x128xf32>
    %max3A_557 = arith.maximumf %add3A_554, %max3A_556 : vector<512x128xf32>
    %convert_element_type3A_558 = arith.truncf %max3A_557 : vector<512x128xf32> to vector<512x128xbf16>
    %swap3A_559 = arith.constant 13824 : index
    %swap3A_560 = arith.constant 0 : index
    %swap3A_561 = vector.load %arg7[%swap3A_559, %swap3A_560] : memref<16384x128xbf16, #tpu.memory_space<vmem>>, vector<512x128xbf16>
    tpu.vector_store %arg7[%swap3A_559, %swap3A_560], %convert_element_type3A_558 {strides = array<i32>} : memref<16384x128xbf16, #tpu.memory_space<vmem>>, vector<512x128xbf16>,
    %mul3A_562 = arith.constant 32 : i32
    %mul3A_563 = arith.muli %arg0, %mul3A_562 : i32
    %add3A_564 = arith.constant 28 : i32
    %add3A_565 = arith.addi %mul3A_563, %add3A_564 : i32
    %mul3A_566 = arith.constant 128 : i32
    %mul3A_567 = arith.muli %add3A_565, %mul3A_566 : i32
    %get3A_568 = arith.constant 0 : index
    %get3A_569 = arith.index_cast %mul3A_567 : i32 to index
    %get3A_570 = vector.load %arg9[%get3A_568, %get3A_569] : memref<512x4096xf32, #tpu.memory_space<vmem>>, vector<512x128xf32>
    %dot_general3A_571 = arith.constant dense<0.000000e+00> : vector<512x128xf32>
    %dot_general3A_572 = tpu.matmul %get3A_570, %get3A_3, %dot_general3A_571 {dimension_numbers = #tpu.dot_dimension_numbers<[1], [0], [0], [1], [0, 0, 1, 1], [], []>, transpose_lhs_hint = false} : vector<512x128xf32>, vector<128x128xf32>, vector<512x128xf32> -> vector<512x128xf32>
    %add3A_573 = vector.broadcast %get3A_6 : vector<1x128xf32> to vector<512x128xf32>
    %add3A_574 = arith.addf %dot_general3A_572, %add3A_573 : vector<512x128xf32>
    %max3A_575 = arith.constant 0.000000e+00 : f32
    %max3A_576 = vector.broadcast %max3A_575 : f32 to vector<512x128xf32>
    %max3A_577 = arith.maximumf %add3A_574, %max3A_576 : vector<512x128xf32>
    %convert_element_type3A_578 = arith.truncf %max3A_577 : vector<512x128xf32> to vector<512x128xbf16>
    %swap3A_579 = arith.constant 14336 : index
    %swap3A_580 = arith.constant 0 : index
    %swap3A_581 = vector.load %arg7[%swap3A_579, %swap3A_580] : memref<16384x128xbf16, #tpu.memory_space<vmem>>, vector<512x128xbf16>
    tpu.vector_store %arg7[%swap3A_579, %swap3A_580], %convert_element_type3A_578 {strides = array<i32>} : memref<16384x128xbf16, #tpu.memory_space<vmem>>, vector<512x128xbf16>,
    %mul3A_582 = arith.constant 32 : i32
    %mul3A_583 = arith.muli %arg0, %mul3A_582 : i32
    %add3A_584 = arith.constant 29 : i32
    %add3A_585 = arith.addi %mul3A_583, %add3A_584 : i32
    %mul3A_586 = arith.constant 128 : i32
    %mul3A_587 = arith.muli %add3A_585, %mul3A_586 : i32
    %get3A_588 = arith.constant 0 : index
    %get3A_589 = arith.index_cast %mul3A_587 : i32 to index
    %get3A_590 = vector.load %arg9[%get3A_588, %get3A_589] : memref<512x4096xf32, #tpu.memory_space<vmem>>, vector<512x128xf32>
    %dot_general3A_591 = arith.constant dense<0.000000e+00> : vector<512x128xf32>
    %dot_general3A_592 = tpu.matmul %get3A_590, %get3A_3, %dot_general3A_591 {dimension_numbers = #tpu.dot_dimension_numbers<[1], [0], [0], [1], [0, 0, 1, 1], [], []>, transpose_lhs_hint = false} : vector<512x128xf32>, vector<128x128xf32>, vector<512x128xf32> -> vector<512x128xf32>
    %add3A_593 = vector.broadcast %get3A_6 : vector<1x128xf32> to vector<512x128xf32>
    %add3A_594 = arith.addf %dot_general3A_592, %add3A_593 : vector<512x128xf32>
    %max3A_595 = arith.constant 0.000000e+00 : f32
    %max3A_596 = vector.broadcast %max3A_595 : f32 to vector<512x128xf32>
    %max3A_597 = arith.maximumf %add3A_594, %max3A_596 : vector<512x128xf32>
    %convert_element_type3A_598 = arith.truncf %max3A_597 : vector<512x128xf32> to vector<512x128xbf16>
    %swap3A_599 = arith.constant 14848 : index
    %swap3A_600 = arith.constant 0 : index
    %swap3A_601 = vector.load %arg7[%swap3A_599, %swap3A_600] : memref<16384x128xbf16, #tpu.memory_space<vmem>>, vector<512x128xbf16>
    tpu.vector_store %arg7[%swap3A_599, %swap3A_600], %convert_element_type3A_598 {strides = array<i32>} : memref<16384x128xbf16, #tpu.memory_space<vmem>>, vector<512x128xbf16>,
    %mul3A_602 = arith.constant 32 : i32
    %mul3A_603 = arith.muli %arg0, %mul3A_602 : i32
    %add3A_604 = arith.constant 30 : i32
    %add3A_605 = arith.addi %mul3A_603, %add3A_604 : i32
    %mul3A_606 = arith.constant 128 : i32
    %mul3A_607 = arith.muli %add3A_605, %mul3A_606 : i32
    %get3A_608 = arith.constant 0 : index
    %get3A_609 = arith.index_cast %mul3A_607 : i32 to index
    %get3A_610 = vector.load %arg9[%get3A_608, %get3A_609] : memref<512x4096xf32, #tpu.memory_space<vmem>>, vector<512x128xf32>
    %dot_general3A_611 = arith.constant dense<0.000000e+00> : vector<512x128xf32>
    %dot_general3A_612 = tpu.matmul %get3A_610, %get3A_3, %dot_general3A_611 {dimension_numbers = #tpu.dot_dimension_numbers<[1], [0], [0], [1], [0, 0, 1, 1], [], []>, transpose_lhs_hint = false} : vector<512x128xf32>, vector<128x128xf32>, vector<512x128xf32> -> vector<512x128xf32>
    %add3A_613 = vector.broadcast %get3A_6 : vector<1x128xf32> to vector<512x128xf32>
    %add3A_614 = arith.addf %dot_general3A_612, %add3A_613 : vector<512x128xf32>
    %max3A_615 = arith.constant 0.000000e+00 : f32
    %max3A_616 = vector.broadcast %max3A_615 : f32 to vector<512x128xf32>
    %max3A_617 = arith.maximumf %add3A_614, %max3A_616 : vector<512x128xf32>
    %convert_element_type3A_618 = arith.truncf %max3A_617 : vector<512x128xf32> to vector<512x128xbf16>
    %swap3A_619 = arith.constant 15360 : index
    %swap3A_620 = arith.constant 0 : index
    %swap3A_621 = vector.load %arg7[%swap3A_619, %swap3A_620] : memref<16384x128xbf16, #tpu.memory_space<vmem>>, vector<512x128xbf16>
    tpu.vector_store %arg7[%swap3A_619, %swap3A_620], %convert_element_type3A_618 {strides = array<i32>} : memref<16384x128xbf16, #tpu.memory_space<vmem>>, vector<512x128xbf16>,
    %mul3A_622 = arith.constant 32 : i32
    %mul3A_623 = arith.muli %arg0, %mul3A_622 : i32
    %add3A_624 = arith.constant 31 : i32
    %add3A_625 = arith.addi %mul3A_623, %add3A_624 : i32
    %mul3A_626 = arith.constant 128 : i32
    %mul3A_627 = arith.muli %add3A_625, %mul3A_626 : i32
    %get3A_628 = arith.constant 0 : index
    %get3A_629 = arith.index_cast %mul3A_627 : i32 to index
    %get3A_630 = vector.load %arg9[%get3A_628, %get3A_629] : memref<512x4096xf32, #tpu.memory_space<vmem>>, vector<512x128xf32>
    %dot_general3A_631 = arith.constant dense<0.000000e+00> : vector<512x128xf32>
    %dot_general3A_632 = tpu.matmul %get3A_630, %get3A_3, %dot_general3A_631 {dimension_numbers = #tpu.dot_dimension_numbers<[1], [0], [0], [1], [0, 0, 1, 1], [], []>, transpose_lhs_hint = false} : vector<512x128xf32>, vector<128x128xf32>, vector<512x128xf32> -> vector<512x128xf32>
    %add3A_633 = vector.broadcast %get3A_6 : vector<1x128xf32> to vector<512x128xf32>
    %add3A_634 = arith.addf %dot_general3A_632, %add3A_633 : vector<512x128xf32>
    %max3A_635 = arith.constant 0.000000e+00 : f32
    %max3A_636 = vector.broadcast %max3A_635 : f32 to vector<512x128xf32>
    %max3A_637 = arith.maximumf %add3A_634, %max3A_636 : vector<512x128xf32>
    %convert_element_type3A_638 = arith.truncf %max3A_637 : vector<512x128xf32> to vector<512x128xbf16>
    %swap3A_639 = arith.constant 15872 : index
    %swap3A_640 = arith.constant 0 : index
    %swap3A_641 = vector.load %arg7[%swap3A_639, %swap3A_640] : memref<16384x128xbf16, #tpu.memory_space<vmem>>, vector<512x128xbf16>
    tpu.vector_store %arg7[%swap3A_639, %swap3A_640], %convert_element_type3A_638 {strides = array<i32>} : memref<16384x128xbf16, #tpu.memory_space<vmem>>, vector<512x128xbf16>,
    return
  }
  func.func @transform_0(%arg0: i32) -> (i32, i32) {
    %c0_i32 = arith.constant 0 : i32
    %c0_i32_0 = arith.constant 0 : i32
    %c0_i32_1 = arith.constant 0 : i32
    return %c0_i32, %c0_i32_0 : i32, i32
  }
  func.func @transform_1(%arg0: i32) -> (i32, i32) {
    %c0_i32 = arith.constant 0 : i32
    %c0_i32_0 = arith.constant 0 : i32
    %c0_i32_1 = arith.constant 0 : i32
    return %c0_i32, %c0_i32_0 : i32, i32
  }
  func.func @transform_2(%arg0: i32) -> (i32, i32) {
    %c0_i32 = arith.constant 0 : i32
    %c0_i32_0 = arith.constant 0 : i32
    %c0_i32_1 = arith.constant 0 : i32
    return %c0_i32, %c0_i32_0 : i32, i32
  }
  func.func @transform_3(%arg0: i32) -> (i32, i32) {
    %c0_i32 = arith.constant 0 : i32
    %c0_i32_0 = arith.constant 0 : i32
    %c0_i32_1 = arith.constant 0 : i32
    return %c0_i32, %c0_i32_0 : i32, i32
  }
  func.func @transform_4(%arg0: i32) -> (i32, i32) {
    %c0_i32 = arith.constant 0 : i32
    %c0_i32_0 = arith.constant 0 : i32
    %c0_i32_1 = arith.constant 0 : i32
    return %c0_i32, %c0_i32_0 : i32, i32
  }
  func.func @transform_5(%arg0: i32) -> (i32, i32) {
    %c0_i32 = arith.constant 0 : i32
    %c0_i32_0 = arith.constant 0 : i32
    %c0_i32_1 = arith.constant 0 : i32
    return %c0_i32, %c0_i32_0 : i32, i32
  }
  func.func @transform_6(%arg0: i32) -> (i32, i32) {
    %c0_i32 = arith.constant 0 : i32
    %c0_i32_0 = arith.constant 0 : i32
    return %arg0, %c0_i32 : i32, i32
  }
}

</mosaic_0001>

<sc_bundles>
// kernel: kernel.5.cloned.1.call-start
scs
__scs_entry_jumppad:
0x0: {  	(pc) =	sbr.rel $0x88, $3  }
0x1: {  	(tag) =	ssettag $0x0;
	lr =	simm.s32 $0x1  }
0x2: {  	[smem:$0x3F99] =	sst lr;
	_ =	strace $0xD0000000  }
0x3: {  	_ = 	snop  }
0x4: {  	_ = 	snop  }
0x5: {  	_ = 	snop  }
0x6: {  	_ = 	snop  }
0x7: {  	_ = 	snop  }
__scs_overlays_trampoline_lowered:
0x8: {  	[smem:$0x3FA8] =	sst s0  }
0x9: {  	[smem:$0x3FA9] =	sst s1  }
0xa: {  	[smem:$0x3FAA] =	sst s2  }
0xb: {  	[smem:$0x3FAB] =	sst s3  }
0xc: {  	[smem:$0x3FAC] =	sst s4  }
0xd: {  	[smem:$0x3FAD] =	sst s5  }
0xe: {  	[smem:$0x3FAE] =	sst s6  }
0xf: {  	[smem:$0x3FAF] =	sst s7  }
0x10: {  	[smem:$0x3FB0] =	sst s8  }
0x11: {  	[smem:$0x3FB1] =	sst s9;
	s0 =	simm.s32 @!p0 $0x0  }
0x12: {  	s1 =	sld [smem:$0x3F97];
	s0 =	simm.s32 @p0 $0x1  }
0x13: {  	[smem:$0x3FB2] =	sst s0;
	s0 =	simm.s32 @!p1 $0x0  }
0x14: {  	s2 =	sld [smem:$0x3F96];
	s0 =	simm.s32 @p1 $0x1  }
0x15: {  	[smem:$0x3FB3] =	sst s0;
	s0 =	simm.s32 @!p2 $0x0  }
0x16: {  	s3 =	sld [smem:$0x3FDB];
	s0 =	simm.s32 @p2 $0x1  }
0x17: {  	s4 =	simm.s32 $0x1BF5;
	[smem:$0x3FB5] =	sst s0  }
0x18: {  	s0 =	sld [smem:$0x3F98];
	_ =	swait.ge [sflag:s4], $0x0  }
0x19: {  	s7 =	sld [smem:$0x3F99]  }
0x1a: {  	s8 =	sadd.s32 $0xFFFFE003, lr  }
0x1b: {  	s9 =	sadd.s32 $0xFFFFFEF7, lr;
	s5 =	simm.s32 $0xFFFFFFFF;
	p2 =	slt.u32 s8, $0xFFFFF086  }
0x1c: {  	p1 =	slt.u32 s9, $0xF7A;
	s5 =	simm.s32 @!p2 $0x0  }
0x1d: {  	s5 =	simm.s32 @p1 $0x1;
	p0 =	seq.s32 s7, s2  }
0x1e: {  	s7 =	smul.u32 @!p0 $0xF7A, s2;
	p2 =	seq.s32 @!p0 s5, $0x0  }
0x1f: {  	s9 =	smul.u32 $0xF7A, s1;
	s8 =	simm.s32 @!p0 $0x1BF5;
	p2 =	por !p2, p0  }
0x20: {  	[sflag:s8] =	ssyncset.s32 @!p0 $0xFFFFF086;
	s6 =	sadd.s32 @!p0 s3, s7;
	s7 =	simm.s32 @!p0 $0x108  }
0x21: {  	s3 =	sadd.s32 s3, s9;
	s6 =	sadd.s32 @!p0 $0x88, s6;
	s7 =	simm.s32 @p2 $0x1082  }
0x22: {  	[simem:s7], [sflag:s8] =	dma.local @!p0 [hbm:s6], $0xF7A  }
0x23: {  	s9 =	sor.u32 $0xD0000000, s2;
	s6 =	simm.s32 $0x108;
	_ =	swait.ge @!p0 [sflag:s8], $0x0  }
0x24: {  	s3 =	sadd.s32 $0x88, s3;
	s6 =	simm.s32 @!p1 $0x1082;
	[sflag:s4] =	ssyncset.s32 $0xFFFFF086  }
0x25: {  	[simem:s6], [sflag:s4] =	dma.local [hbm:s3], $0xF7A  }
0x26: {  	[smem:$0x3F99] =	sst s1;
	(tag) =	ssettag s2;
	_ =	strace s9  }
0x27: {  	s1 =	sld [smem:$0x3FA9]  }
0x28: {  	s2 =	sld [smem:$0x3FAA]  }
0x29: {  	s4 =	sld [smem:$0x3FAC]  }
0x2a: {  	p0 =	seq.s32 s5, $0x0;
	s5 =	sld [smem:$0x3FAD]  }
0x2b: {  	s6 =	sld [smem:$0x3FAE]  }
0x2c: {  	s7 =	sld [smem:$0x3FAF]  }
0x2d: {  	s3 =	simm.s32 $0x108;
	s8 =	sld [smem:$0x3FB0]  }
0x2e: {  	s3 =	simm.s32 @!p0 $0x1082;
	s9 =	sld [smem:$0x3FB1]  }
0x2f: {  	lr =	sadd.s32 s0, s3;
	s0 =	sld [smem:$0x3FA8]  }
0x30: {  	s3 =	sld [smem:$0x3FAB]  }
0x31: {  	[smem:$0x3FB4] =	sst s10  }
0x32: {  	s10 =	sld [smem:$0x3FB2];
	_ =	sdelay $0x3  }
0x33: {  	p0 =	seq.s32 s10, $0x1;
	s10 =	sld [smem:$0x3FB4];
	_ =	sdelay $0x3  }
0x34: {  	[smem:$0x3FB4] =	sst s10  }
0x35: {  	s10 =	sld [smem:$0x3FB3];
	_ =	sdelay $0x3  }
0x36: {  	p1 =	seq.s32 s10, $0x1;
	s10 =	sld [smem:$0x3FB4];
	_ =	sdelay $0x3  }
0x37: {  	[smem:$0x3FB4] =	sst s10  }
0x38: {  	s10 =	sld [smem:$0x3FB5]  }
0x39: {  	_ = 	snop;
	(pc) =	sbr.ind lr, $3  }
0x3a: {  	_ = 	snop  }
0x3b: {  	_ = 	snop  }
0x3c: {  	p2 =	seq.s32 s10, $0x1;
	s10 =	sld [smem:$0x3FB4]  }
0x3d: {  	_ =	shalt  }
0x3e: {  	_ =	shalt  }
0x3f: {  	_ =	shalt  }
0x40: {  	_ =	shalt  }
0x41: {  	_ =	shalt  }
0x42: {  	_ =	shalt  }
0x43: {  	_ =	shalt  }
0x44: {  	_ =	shalt  }
0x45: {  	_ =	shalt  }
0x46: {  	_ =	shalt  }
0x47: {  	_ =	shalt  }
0x48: {  	_ =	shalt  }
0x49: {  	_ =	shalt  }
0x4a: {  	_ =	shalt  }
0x4b: {  	_ =	shalt  }
0x4c: {  	_ =	shalt  }
0x4d: {  	_ =	shalt  }
0x4e: {  	_ =	shalt  }
0x4f: {  	_ =	shalt  }
0x50: {  	_ =	shalt  }
0x51: {  	_ =	shalt  }
0x52: {  	_ =	shalt  }
0x53: {  	_ =	shalt  }
0x54: {  	_ =	shalt  }
0x55: {  	_ =	shalt  }
0x56: {  	_ =	shalt  }
0x57: {  	_ =	shalt  }
0x58: {  	_ =	shalt  }
0x59: {  	_ =	shalt  }
0x5a: {  	_ =	shalt  }
0x5b: {  	_ =	shalt  }
0x5c: {  	_ =	shalt  }
0x5d: {  	_ =	shalt  }
0x5e: {  	_ =	shalt  }
0x5f: {  	_ =	shalt  }
0x60: {  	_ =	shalt  }
0x61: {  	_ =	shalt  }
0x62: {  	_ =	shalt  }
0x63: {  	_ =	shalt  }
0x64: {  	_ =	shalt  }
0x65: {  	_ =	shalt  }
0x66: {  	_ =	shalt  }
0x67: {  	_ =	shalt  }
0x68: {  	_ =	shalt  }
0x69: {  	_ =	shalt  }
0x6a: {  	_ =	shalt  }
0x6b: {  	_ =	shalt  }
0x6c: {  	_ =	shalt  }
0x6d: {  	_ =	shalt  }
0x6e: {  	_ =	shalt  }
0x6f: {  	_ =	shalt  }
0x70: {  	_ =	shalt  }
0x71: {  	_ =	shalt  }
0x72: {  	_ =	shalt  }
0x73: {  	_ =	shalt  }
0x74: {  	_ =	shalt  }
0x75: {  	_ =	shalt  }
0x76: {  	_ =	shalt  }
0x77: {  	_ =	shalt  }
0x78: {  	_ =	shalt  }
0x79: {  	_ =	shalt  }
0x7a: {  	_ =	shalt  }
0x7b: {  	_ =	shalt  }
0x7c: {  	_ =	shalt  }
0x7d: {  	_ =	shalt  }
0x7e: {  	_ =	shalt  }
0x7f: {  	_ =	shalt  }
0x80: {  	_ =	shalt  }
0x81: {  	_ =	shalt  }
0x82: {  	_ =	shalt  }
0x83: {  	_ =	shalt  }
0x84: {  	_ =	shalt  }
0x85: {  	_ =	shalt  }
0x86: {  	_ =	shalt  }
0x87: {  	_ =	shalt  }
.Lfunc_end0:
.L_simem_size_0:
called_computation_lowered:
.L_overlay_start_0:
0x88: {  	s0 =	sld [smem:$0x3FD9]  }
0x89: {  	s1 =	sld [smem:$0x3FFE];
	_ =	sdelay $0x3  }
0x8a: {  	s0 =	sadd.s32 s1, s0  }
0x8b: {  	[smem:$0x3FC0] =	sst s0  }
0x8c: {  	_ = 	snop  }
0x8d: {  	s0 =	sld [smem:$0x3FC8];
	(tm) =	ssettm $0x1  }
0x8e: {  	s16 =	sld [smem:$0x3FFB];
	_ =	sdelay $0x3  }
0x8f: {  	_ =	strace s16  }
0x90: {  	s1 =	sld [smem:$0x3FFC];
	_ =	sdelay $0x3  }
0x91: {  	_ =	strace s1  }
0x92: {  	s1 =	sld [smem:$0x3FFD];
	_ =	sdelay $0x3  }
0x93: {  	_ =	strace s1  }
0x94: {  	_ =	strace $0x8FFFFFFF  }
0x95: {  	s17 =	sld [smem:$0x3FDB];
	_ =	sdelay $0x1  }
0x96: {  	s2 =	simm.s32 $_scs_section_size  }
0x97: {  	s3 =	simm.s32 $_size__tile_overlayer_lowered;
	s4 =	simm.s32 $_tile_overlayer_lowered  }
0x98: {  	s20 =	simm.s32 $0x1BFF;
	s19 =	sshll.u32 s4, $0x1;
	s1 =	sadd.s32 s2, s17  }
0x99: {  	s5 =	simm.s32 $0x0;
	s18 =	sshll.u32 s3, $0x1;
	s3 =	sadd.s32 s19, s1  }
0x9a: {  	[timem:s5], [sflag:s20] =	dma.local [hbm:s3], s18  }
0x9b: {  	_ =	swait.ge [sflag:s20], s18  }
0x9c: {  	s2 =	ssub.s32 $0x0, s18;
	[sflag:s20] =	ssyncset.done $0x0  }
0x9d: {  	[sflag:s20] =	ssyncadd.s32 s2;
	_ =	sdelay $0x1  }
0x9e: {  	s21 =	simm.s32 $0x1B8B  }
0x9f: {  	_ =	swait.ge [sflag:s21], $0x1  }
0xa0: {  	[sflag:s21] =	ssyncset.done $0x0  }
0xa1: {  	s23 =	simm.s32 $0x1B8E;
	s22 =	sld [smem:$0x3FFE];
	[sflag:s21] =	ssyncadd.s32 $0xFFFFFFFF  }
0xa2: {  	s24 =	simm.s32 $execute0_lowered;
	[smem:$0x3FD2] =	sst s23  }
0xa3: {  	s3 =	sshll.u32 s24, $0x1;
	_ =	strace $0x80000046;
	[dreg:$0x1] =	wrdreg $0xFFFFFFFF  }
0xa4: {  	s25 =	simm.s32 $_size_execute0_lowered;
	s1 =	sadd.s32 s1, s3;
	[dreg:$0x0] =	wrdreg $0x0  }
0xa5: {  	s3 =	sshll.u32 s25, $0x1;
	[dreg:$0x2] =	wrdreg s1  }
0xa6: {  	[dreg:$0x3] =	wrdreg s3  }
0xa7: {  	[dreg:$0x4] =	wrdreg $0xC0  }
0xa8: {  	_ =	task [dreg:s5], $0x5FFFF  }
0xa9: {  	[dreg:$0x1] =	wrdreg $0xFFFFFFFF  }
0xaa: {  	[dreg:$0x0] =	wrdreg $0x60  }
0xab: {  	[dreg:$0x2] =	wrdreg s0  }
0xac: {  	[dreg:$0x3] =	wrdreg s22  }
0xad: {  	[dreg:$0x4] =	wrdreg $0x9  }
0xae: {  	_ =	task.clear_ibuf [dreg:s5], $0x5FFFF;
	_ =	strace $0x90000046  }
0xaf: {  	s26 =	simm.s32 $0x9;
	_ =	strace $0x80000048  }
0xb0: {  	_ =	swait.ge [sflag:s26], $0x1  }
0xb1: {  	[sflag:s26] =	ssyncadd.s32 $0xFFFFFFFF  }
0xb2: {  	_ =	strace $0x90000048  }
0xb3: {  	_ =	sfence  }
0xb4: {  	s28 =	sld [smem:$0x0];
	_ =	sdelay $0x1  }
0xb5: {  	s29 =	srdreg.scid  }
0xb6: {  	s30 =	sshll.u32 s29, $0xD;
	s31 =	sshrl.u32 s29, $0x2  }
0xb7: {  	s2 =	sand.u32 $0x4000, s30;
	s1 =	sand.u32 $0x1, s29;
	s0 =	sadd.s32 s31, s28  }
0xb8: {  	s1 =	sor.u32 s2, s1;
	s0 =	sshll.u32 s0, $0x11  }
0xb9: {  	s0 =	sor.u32 s0, s1  }
0xba: {  	s0 =	sadd.s32 $0x8F2B, s0  }
0xbb: {  	[sflag:s0] =	ssyncadd.remote.s32 $0x1  }
0xbc: {  	_ =	sfence.sel $0xFFFF  }
0xbd: {  	[dreg:$0x0] =	wrdreg $0xFFFFFFFF;
	(pc) =	sbr.abs _section_cstart, $3  }
0xbe: {  	[dreg:$0x1] =	wrdreg $0xFFFFFFFF  }
0xbf: {  	_ =	task.clear_ibuf [dreg:s5], $0x2FFFF;
	_ =	strace $0x9FFFFFFF  }
0xc0: {  	(tm) =	ssettm $0x7FFFFFFF  }
0xc1: {  	_ =	shalt  }
tec
execute0_lowered:
.L_overlay_start_1:
0x0: {  	(tag) =	ssettag $0x1  }
0x1: {  	s1 =	rddreg [dreg:$0x0]  }
0x2: {  	s2 =	rddreg [dreg:$0x1];
	s3 =	simm.s32 $0x0  }
0x3: {  	[smem:$0x7FF] =	sst s3  }
0x4: {  	s0 =	rddreg [dreg:$0x2];
	s4 =	simm.s32 $0x4000;
	_ =	strace $0x80000047  }
0x5: {  	[tilespmem:s4], [sflag:$0x1] =	stream.linear.gather [hbm4b:s1+s3], $0x4000, $0x38;
	[tilespmem:$0x8000] =	vst v63  }
0x6: {  	v0 =	vimm.f32 $0.0e+00;
	s3 =	simm.s32 $0x40  }
0x7: {  	[tilespmem:s3+$0xFFFFFFC0] =	vst v0  }
0x8: {  	[tilespmem:s3+$0x30] =	vst v0  }
0x9: {  	[tilespmem:s3+$0x20] =	vst v0  }
0xa: {  	[tilespmem:s3+$0x10] =	vst v0  }
0xb: {  	[tilespmem:s3+$0x0] =	vst v0  }
0xc: {  	[tilespmem:s3+$0xFFFFFFF0] =	vst v0  }
0xd: {  	s2 =	sadd.s32 $0x1200, s2;
	s1 =	stileid.u32;
	s4 =	simm.s32 $0x0;
	[tilespmem:s3+$0xFFFFFFE0] =	vst v0  }
.LBB2_1:
0xe: {  	s4 =	sadd.s32 $0x8, s4;
	[tilespmem:s3+$0xFFFFFFD0] =	vst v0;
	s3 =	sadd.s32 $0x80, s3  }
0xf: {  	[tilespmem:s3+$0xFFFFFFC0] =	vst v0;
	p0 =	slt.u32 s4, $0x3F8  }
0x10: {  	[tilespmem:s3+$0x30] =	vst v0  }
.Ltmp0:
0x11: {  	[tilespmem:s3+$0x20] =	vst v0;
	(pc) =	sbr.rel @p0 .LBB2_1-.Ltmp0, $4  }
0x12: {  	[tilespmem:s3+$0x10] =	vst v0  }
0x13: {  	[tilespmem:s3+$0x0] =	vst v0  }
0x14: {  	[tilespmem:s3+$0xFFFFFFF0] =	vst v0  }
0x15: {  	[tilespmem:s3+$0xFFFFFFE0] =	vst v0  }
0x16: {  	[tilespmem:s3+$0xFFFFFFD0] =	vst v0;
	s31 =	simm.s32 $0x1  }
0x17: {  	s4 =	sshll.u32 s1, $0x5;
	_ =	swait.ge [sflag:s31], $0x4000  }
0x18: {  	s3 =	simm.s32 $0xFFFFFFF8;
	s5 =	sadd.s32 $0x20, s4;
	[sflag:s31] =	ssyncset.done $0x0  }
0x19: {  	v2 =	vimm.f32 $1.000000000e+00;
	v0 =	vmov s4;
	s4 =	simm.s32 $0x4080;
	v1 =	vmov s5;
	s5 =	simm.s32 $0x0;
	[sflag:s31] =	ssyncadd.s32 $0xFFFFC000  }
.LBB2_3:
0x1a: {  	v3 =	vld [tilespmem:s4+$0x0];
	_ =	sdelay $0x1  }
0x1b: {  	v4 =	vld [tilespmem:s4+$0xFFFFFF80];
	_ =	sdelay $0x2  }
0x1c: {  	v5 =	vsub.s32 v3, v0  }
0x1d: {  	vm0 =	vge.s32 v3, v0;
	vm1 =	vlt.s32 v3, v1;
	v3 =	vshll.u32 v5, $0x9  }
0x1e: {  	vm0 =	vmand vm0, vm1;
	v3 =	vadd.s32 v4, v3  }
0x1f: {  	v3 =	vnsel vm0, $0x0, v3;
	_ =	sdelay $0x4  }
0x20: {  	[tilespmem:v3+s5+$0x0] =	vst.idx.msk vm0, v2  }
0x21: {  	v3 =	vld [tilespmem:s4+$0x10];
	_ =	sdelay $0x1  }
0x22: {  	v50 =	vld [tilespmem:s4+$0xFFFFFF90];
	_ =	sdelay $0x2  }
0x23: {  	v51 =	vsub.s32 v3, v0  }
0x24: {  	vm14 =	vge.s32 v3, v0;
	vm15 =	vlt.s32 v3, v1;
	v3 =	vshll.u32 v51, $0x9  }
0x25: {  	vm0 =	vmand vm14, vm15;
	v3 =	vadd.s32 v50, v3  }
0x26: {  	v3 =	vnsel vm0, $0x0, v3;
	_ =	sdelay $0x4  }
0x27: {  	[tilespmem:v3+s5+$0x0] =	vst.idx.msk vm0, v2  }
0x28: {  	v3 =	vld [tilespmem:s4+$0x20];
	_ =	sdelay $0x1  }
0x29: {  	v52 =	vld [tilespmem:s4+$0xFFFFFFA0];
	_ =	sdelay $0x2  }
0x2a: {  	v53 =	vsub.s32 v3, v0  }
0x2b: {  	vm4 =	vge.s32 v3, v0;
	vm5 =	vlt.s32 v3, v1;
	v3 =	vshll.u32 v53, $0x9  }
0x2c: {  	vm0 =	vmand vm4, vm5;
	v3 =	vadd.s32 v52, v3  }
0x2d: {  	v3 =	vnsel vm0, $0x0, v3;
	_ =	sdelay $0x4  }
0x2e: {  	[tilespmem:v3+s5+$0x0] =	vst.idx.msk vm0, v2  }
0x2f: {  	v3 =	vld [tilespmem:s4+$0x30];
	_ =	sdelay $0x1  }
0x30: {  	v54 =	vld [tilespmem:s4+$0xFFFFFFB0];
	_ =	sdelay $0x2  }
0x31: {  	v55 =	vsub.s32 v3, v0  }
0x32: {  	vm6 =	vge.s32 v3, v0;
	vm7 =	vlt.s32 v3, v1;
	v3 =	vshll.u32 v55, $0x9  }
0x33: {  	vm0 =	vmand vm6, vm7;
	v3 =	vadd.s32 v54, v3  }
0x34: {  	v3 =	vnsel vm0, $0x0, v3;
	_ =	sdelay $0x4  }
0x35: {  	[tilespmem:v3+s5+$0x0] =	vst.idx.msk vm0, v2  }
0x36: {  	v3 =	vld [tilespmem:s4+$0x40];
	_ =	sdelay $0x1  }
0x37: {  	v56 =	vld [tilespmem:s4+$0xFFFFFFC0];
	_ =	sdelay $0x2  }
0x38: {  	v57 =	vsub.s32 v3, v0  }
0x39: {  	vm8 =	vge.s32 v3, v0;
	vm9 =	vlt.s32 v3, v1;
	v3 =	vshll.u32 v57, $0x9  }
0x3a: {  	vm0 =	vmand vm8, vm9;
	v3 =	vadd.s32 v56, v3  }
0x3b: {  	v3 =	vnsel vm0, $0x0, v3;
	_ =	sdelay $0x4  }
0x3c: {  	[tilespmem:v3+s5+$0x0] =	vst.idx.msk vm0, v2  }
0x3d: {  	v3 =	vld [tilespmem:s4+$0x50];
	_ =	sdelay $0x1  }
0x3e: {  	v58 =	vld [tilespmem:s4+$0xFFFFFFD0];
	_ =	sdelay $0x2  }
0x3f: {  	v59 =	vsub.s32 v3, v0  }
0x40: {  	vm10 =	vge.s32 v3, v0;
	vm11 =	vlt.s32 v3, v1;
	v3 =	vshll.u32 v59, $0x9  }
0x41: {  	vm0 =	vmand vm10, vm11;
	v3 =	vadd.s32 v58, v3  }
0x42: {  	v3 =	vnsel vm0, $0x0, v3;
	_ =	sdelay $0x4  }
0x43: {  	[tilespmem:v3+s5+$0x0] =	vst.idx.msk vm0, v2  }
0x44: {  	v3 =	vld [tilespmem:s4+$0x60];
	_ =	sdelay $0x1  }
0x45: {  	v60 =	vld [tilespmem:s4+$0xFFFFFFE0];
	_ =	sdelay $0x2  }
0x46: {  	v61 =	vsub.s32 v3, v0  }
0x47: {  	vm12 =	vge.s32 v3, v0;
	vm13 =	vlt.s32 v3, v1;
	v3 =	vshll.u32 v61, $0x9  }
0x48: {  	vm0 =	vmand vm12, vm13;
	v3 =	vadd.s32 v60, v3  }
0x49: {  	v3 =	vnsel vm0, $0x0, v3;
	_ =	sdelay $0x4  }
0x4a: {  	[tilespmem:v3+s5+$0x0] =	vst.idx.msk vm0, v2  }
0x4b: {  	v3 =	vld [tilespmem:s4+$0x70];
	_ =	sdelay $0x1  }
0x4c: {  	v62 =	vld [tilespmem:s4+$0xFFFFFFF0];
	_ =	sdelay $0x2  }
0x4d: {  	v63 =	vsub.s32 v3, v0  }
0x4e: {  	vm14 =	vge.s32 v3, v0;
	vm15 =	vlt.s32 v3, v1;
	v3 =	vshll.u32 v63, $0x9  }
0x4f: {  	s3 =	sadd.s32 $0x8, s3;
	vm0 =	vmand vm14, vm15;
	v3 =	vadd.s32 v62, v3  }
0x50: {  	p0 =	slt.u32 s3, $0x1F8;
	v3 =	vnsel vm0, $0x0, v3  }
.Ltmp1:
0x51: {  	_ = 	snop;
	(pc) =	sbr.rel @p0 .LBB2_3-.Ltmp1, $2  }
0x52: {  	_ =	sdelay $0x2  }
0x53: {  	s4 =	sadd.s32 $0x100, s4;
	[tilespmem:v3+s5+$0x0] =	vst.idx.msk vm0, v2  }
0x54: {  	v1 =	vlaneseq.u32  }
0x55: {  	v1 =	vmul.u32 $0x201, v1;
	_ =	sdelay $0x1  }
0x56: {  	v2 =	vor.u32 v1, v0;
	v1 =	vadd.s32 $0x2010, v1  }
0x57: {  	v62 =	vor.u32 v1, v0;
	_ =	sdelay $0x2  }
0x58: {  	v63 =	vimm.f32 $1.000000000e+00;
	s3 =	simm.s32 $0x0  }
0x59: {  	s4 =	sshll.u32 s1, $0xB;
	[tilespmem:v2+s3+$0x0] =	vst.idx.msk $0xffff, v63  }
0x5a: {  	s31 =	simm.s32 $0x2;
	s2 =	sadd.s32 s2, s4;
	[tilespmem:v62+s3+$0x0] =	vst.idx.msk $0xffff, v63  }
0x5b: {  	[hbm4b:s2+s3] =	stream.linear.scatter [tilespmem:s3], [sflag:$0x2], $0x4000, $0x38;
	[tilespmem:$0x8000] =	vst v63  }
0x5c: {  	_ =	swait.ge [sflag:s31], $0x4000  }
0x5d: {  	[sflag:s31] =	ssyncset.done $0x0  }
0x5e: {  	[sflag:s31] =	ssyncadd.s32 $0xFFFFC000  }
0x5f: {  	_ =	sfence.sel $0x180000  }
0x60: {  	[bflag:$0x0] =	sbarrier.arrive $0xFFFF  }
0x61: {  	p0 =	sne.s32 s1, $0x0;
	_ =	strace $0x90000047  }
0x62: {  	s0 =	sadd.s32 @!p0 $0x100000, s0;
	[bflag:$0x2] =	sbarrier.arrive $0xFFFF  }
0x63: {  	[sflag:s0] =	ssyncadd.tile.s32 @!p0 $0x1;
	_ =	shalt  }
.Lfunc_end2:
_tile_overlayer_lowered:
.L_overlay_start_2:
0x64: {  	(tag) =	ssettag $0x2  }
0x65: {  	s0 =	rddreg [dreg:$0x0];
	s2 =	stileid.u32  }
0x66: {  	s1 =	rddreg [dreg:$0x1];
	p0 =	sne.s32 s2, $0x0  }
0x67: {  	s3 =	rddreg [dreg:$0x2];
	[bflag:$0x3] =	sbarrier.arrive $0xFFFF;
	s2 =	simm.s32 @!p0 $0x1C02  }
0x68: {  	[timem:s3], [sflag:s2] =	dma.local @!p0 [hbm:s0], s1  }
0x69: {  	s0 =	simm.s32 @!p0 $0x2  }
0x6a: {  	_ =	swait.ge @!p0 [sflag:s0], s1  }
0x6b: {  	s1 =	ssub.s32 @!p0 $0x0, s1;
	[sflag:s0] =	ssyncset.done @!p0 $0x0  }
0x6c: {  	[sflag:s0] =	ssyncadd.s32 @!p0 s1  }
0x6d: {  	[bflag:$0x3] =	sbarrier.arrive $0xFFFF  }
0x6e: {  	_ =	shalt  }

</sc_bundles>
